<compile_context>
chip_gen: v7x
topology: tpu7x:2x2x1
jax: 0.10.2.dev20260603
libtpu: 0.0.44.dev20260713+nightly
codegen_flags: <defaults>
</compile_context>

<pallas_src>
import functools

import jax
import jax.numpy as jnp
from jax import lax
from jax.experimental import pallas as pl
from jax.experimental.pallas import tpu as pltpu
from jax.experimental.pallas import tpu_sc as plsc


def _routing_body(x_ref, wr_ref, br_ref, pos_ref, off_ref, blk_ref,
                  eid_ref, *, T, G):
    S, _ = x_ref.shape
    E = wr_ref.shape[0]
    log2t = T.bit_length() - 1

    x = x_ref[...]
    wr = wr_ref[...]
    logits = lax.dot_general(x, wr, (((1,), (1,)), ((), ())),
                             preferred_element_type=jnp.float32)
    logits = logits + br_ref[...]
    eid = jnp.argmax(logits, axis=1).astype(jnp.int32)[:, None]

    iota_se = lax.broadcasted_iota(jnp.int32, (S, E), 1)
    onehot = (iota_se == eid).astype(jnp.float32)
    counts_row = jnp.sum(onehot, axis=0, keepdims=True)

    r_i = lax.broadcasted_iota(jnp.int32, (S, S), 0)
    c_i = lax.broadcasted_iota(jnp.int32, (S, S), 1)
    lt = (c_i < r_i).astype(jnp.float32)
    cum = lax.dot_general(lt, onehot, (((1,), (0,)), ((), ())),
                          preferred_element_type=jnp.float32)
    rank = jnp.sum(cum * onehot, axis=1, keepdims=True)

    r_e = lax.broadcasted_iota(jnp.int32, (E, E), 0)
    c_e = lax.broadcasted_iota(jnp.int32, (E, E), 1)
    m_excl = (r_e < c_e).astype(jnp.float32)
    m_incl = (r_e <= c_e).astype(jnp.float32)
    off_lo = lax.dot_general(counts_row, m_excl, (((1,), (0,)), ((), ())),
                             preferred_element_type=jnp.float32)
    off_hi = lax.dot_general(counts_row, m_incl, (((1,), (0,)), ((), ())),
                             preferred_element_type=jnp.float32)

    pos_off = jnp.sum(onehot * off_lo, axis=1, keepdims=True)
    pos = (pos_off + rank).astype(jnp.int32)
    pos_ref[...] = pos
    off_ref[...] = jnp.concatenate(
        [jnp.zeros((1, 1), jnp.float32), off_hi], axis=1).astype(jnp.int32)

    off_lo_i = off_lo.astype(jnp.int32)
    off_hi_i = off_hi.astype(jnp.int32)
    counts_i = off_hi_i - off_lo_i
    first_blk = lax.shift_right_arithmetic(off_lo_i, log2t)
    last_blk = lax.shift_right_arithmetic(off_hi_i - 1, log2t)
    nb = jnp.where(counts_i > 0, last_blk - first_blk + 1, 0)
    nb_f = nb.astype(jnp.float32)
    cum_nb = lax.dot_general(nb_f, m_incl, (((1,), (0,)), ((), ())),
                             preferred_element_type=jnp.float32)
    pair_start = cum_nb - nb_f
    p_total = jnp.sum(nb)

    g_iota = lax.broadcasted_iota(jnp.int32, (G, 1), 0)
    gg = jnp.minimum(g_iota, p_total - 1)
    gg_f = gg.astype(jnp.float32)
    e_of_g = jnp.sum((cum_nb <= gg_f).astype(jnp.int32), axis=1,
                     keepdims=True)
    iota_ge = lax.broadcasted_iota(jnp.int32, (G, E), 1)
    onehot_g = (iota_ge == e_of_g).astype(jnp.float32)
    firstblk_g = jnp.sum(onehot_g * first_blk.astype(jnp.float32), axis=1,
                         keepdims=True)
    pstart_g = jnp.sum(onehot_g * pair_start, axis=1, keepdims=True)
    blk_g = firstblk_g.astype(jnp.int32) + gg - pstart_g.astype(jnp.int32)
    blk_ref[...] = blk_g
    eid_ref[...] = e_of_g


def _sc_permute_rows(src, idx, *, invert):
    N, Dm = src.shape
    info = plsc.get_sparse_core_info()
    nc = info.num_cores
    nw = nc * info.num_subcores
    rpw = N // nw
    mesh = plsc.VectorSubcoreMesh(core_axis_name="c", subcore_axis_name="s")

    @functools.partial(
        pl.kernel, mesh=mesh,
        out_type=jax.ShapeDtypeStruct((N, Dm), jnp.float32),
        scratch_types=[
            pltpu.VMEM((rpw,), jnp.int32),
            pltpu.VMEM((rpw, Dm), jnp.float32),
            pltpu.SemaphoreType.DMA,
        ],
    )
    def k(src_hbm, idx_hbm, out_hbm, idx_v, rows_v, sem):
        wid = lax.axis_index("s") * nc + lax.axis_index("c")
        base = wid * rpw
        pltpu.sync_copy(idx_hbm.at[pl.ds(base, rpw)], idx_v)
        if invert:
            pltpu.async_copy(src_hbm.at[idx_v], rows_v, sem).wait()
            pltpu.sync_copy(rows_v, out_hbm.at[pl.ds(base, rpw)])
        else:
            pltpu.sync_copy(src_hbm.at[pl.ds(base, rpw)], rows_v)
            pltpu.async_copy(rows_v, out_hbm.at[idx_v], sem).wait()

    return k(src, idx)


def _ffn_body(blk_s, eid_s, off_s, xs_ref, w1_ref, b1_ref, w2_ref, b2_ref,
              out_ref, *, T):
    g = pl.program_id(0)
    e = eid_s[g]
    lo = off_s[e]
    hi = off_s[e + 1]
    blk = blk_s[g]

    x = xs_ref[...]
    h = lax.dot_general(x, w1_ref[0], (((1,), (1,)), ((), ())),
                        preferred_element_type=jnp.float32)
    h = h + b1_ref[0]
    h = 0.5 * h * (1.0 + lax.erf(h * 0.7071067811865476))
    y = lax.dot_general(h, w2_ref[0], (((1,), (1,)), ((), ())),
                        preferred_element_type=jnp.float32)
    y = y + b2_ref[0]

    rows = blk * T + lax.broadcasted_iota(jnp.int32, (T, 1), 0)
    mask = (rows >= lo) & (rows < hi)
    out_ref[...] = jnp.where(mask, y, out_ref[...])


def kernel(x, W1, b1, W2, b2, Wr, br):
    B, S, D = x.shape
    E, FF, _ = W1.shape
    N = B * S
    T = 256
    G = N // T + E

    x_flat = x.reshape(N, D)

    pos, off, blkg, eidg = pl.pallas_call(
        functools.partial(_routing_body, T=T, G=G),
        out_shape=(
            jax.ShapeDtypeStruct((N, 1), jnp.int32),
            jax.ShapeDtypeStruct((1, E + 1), jnp.int32),
            jax.ShapeDtypeStruct((G, 1), jnp.int32),
            jax.ShapeDtypeStruct((G, 1), jnp.int32),
        ),
    )(x_flat, Wr, br.reshape(1, E))

    pos_flat = pos.reshape(N)
    xs = _sc_permute_rows(x_flat, pos_flat, invert=False)

    grid_spec = pltpu.PrefetchScalarGridSpec(
        num_scalar_prefetch=3,
        grid=(G,),
        in_specs=[
            pl.BlockSpec((T, D), lambda g, blk, eid, off: (blk[g], 0)),
            pl.BlockSpec((1, FF, D), lambda g, blk, eid, off: (eid[g], 0, 0)),
            pl.BlockSpec((1, 1, FF), lambda g, blk, eid, off: (eid[g], 0, 0)),
            pl.BlockSpec((1, D, FF), lambda g, blk, eid, off: (eid[g], 0, 0)),
            pl.BlockSpec((1, 1, D), lambda g, blk, eid, off: (eid[g], 0, 0)),
        ],
        out_specs=pl.BlockSpec((T, D), lambda g, blk, eid, off: (blk[g], 0)),
    )
    ys = pl.pallas_call(
        functools.partial(_ffn_body, T=T),
        grid_spec=grid_spec,
        out_shape=jax.ShapeDtypeStruct((N, D), jnp.float32),
        compiler_params=pltpu.CompilerParams(
            dimension_semantics=("arbitrary",)),
    )(blkg.reshape(G), eidg.reshape(G), off.reshape(E + 1),
      xs, W1, b1.reshape(E, 1, FF), W2, b2.reshape(E, 1, D))

    out = _sc_permute_rows(ys, pos_flat, invert=True)

    return out.reshape(B, S, D)

# --- scband reference (transcript-rebuilt; emitter-appended) ---
"""Pipeline reference for scband-mixture-of-experts-3229815407333 (READ-ONLY COPY).

The authoritative reference and input builder live on the scoring server;
editing this copy changes nothing except your own understanding.
"""

import jax, jax.numpy as jnp
import numpy as np

E = 64
TOPK = 1
D = 768
FF = 2048
B = 1
S = 2048


def setup_inputs(seed: int = 0) -> dict:
    key = jax.random.key(seed)
    ks = jax.random.split(key, 8)
    x = jax.random.normal(ks[0], (B, S, D), dtype=jnp.float32)
    # torch nn.Linear weight layout: [out_features, in_features]
    W1 = jax.random.normal(ks[1], (E, FF, D), dtype=jnp.float32) * 0.02
    b1 = jax.random.normal(ks[2], (E, FF), dtype=jnp.float32) * 0.02
    W2 = jax.random.normal(ks[3], (E, D, FF), dtype=jnp.float32) * 0.02
    b2 = jax.random.normal(ks[4], (E, D), dtype=jnp.float32) * 0.02
    Wr = jax.random.normal(ks[5], (E, D), dtype=jnp.float32) * 0.02
    br = jax.random.normal(ks[6], (E,), dtype=jnp.float32) * 0.02
    return {"x": x, "W1": W1, "b1": b1, "W2": W2, "b2": b2, "Wr": Wr, "br": br}


def reference(x, W1, b1, W2, b2, Wr, br):
    Bn, Sn, Dn = x.shape
    x_flat = x.reshape(-1, Dn)
    # router: Linear(model_dim, num_experts)
    router_logits = x_flat @ Wr.T + br
    router_weights = jax.nn.softmax(router_logits, axis=-1)
    top_k_weights, top_k_indices = jax.lax.top_k(router_weights, TOPK)
    top_k_weights = jax.nn.softmax(top_k_weights, axis=-1)
    final_output = jnp.zeros_like(x_flat)
    for i in range(TOPK):
        expert_indices = top_k_indices[:, i]
        weights = top_k_weights[:, i][:, None]
        for expert_idx in range(E):
            mask = (expert_indices == expert_idx).astype(x_flat.dtype)[:, None]
            h = jax.nn.gelu(x_flat @ W1[expert_idx].T + b1[expert_idx], approximate=False)
            expert_output = h @ W2[expert_idx].T + b2[expert_idx]
            weighted_output = expert_output * weights
            final_output = final_output + weighted_output * mask
    return final_output.reshape(Bn, Sn, Dn)

if __name__ == "__main__":
    import jax
    _d = setup_inputs()
    print(jax.jit(kernel)(*tuple(_d.values())))

</pallas_src>

<mosaic_0001>
#map = affine_map<(d0, d1) -> (0, 0)>
#map1 = affine_map<(d0, d1) -> (0)>
module attributes {stable_mosaic.version = 14 : i64} {
  func.func @k(%arg0: i32, %arg1: i32, %arg2: memref<2048x768xf32, #tpu.memory_space<hbm>>, %arg3: memref<2048xi32, #tpu.memory_space<hbm>>, %arg4: memref<2048x768xf32, #tpu.memory_space<hbm>>, %arg5: memref<64xi32, #tpu.memory_space<vmem>>, %arg6: memref<64x768xf32, #tpu.memory_space<vmem>>, %arg7: memref<!tpu.dma_semaphore, #tpu.memory_space<semaphore_mem>>) attributes {dimension_semantics = [#tpu.dimension_semantics<core_parallel>, #tpu.dimension_semantics<subcore_parallel>], iteration_bounds = array<i64: 2, 16>, scalar_prefetch = 0 : i64, scratch_operands = 3 : i64, tpu.core_type = #tpu.core_type<sc_vector_subcore>, window_params = [{transform_indices = #map}, {transform_indices = #map1}, {transform_indices = #map}]} {
    %mul3A = arith.constant 2 : i32
    %mul3A_0 = arith.muli %arg1, %mul3A : i32
    %add3A = arith.addi %mul3A_0, %arg0 : i32
    %mul3A_1 = arith.constant 64 : i32
    %mul3A_2 = arith.muli %add3A, %mul3A_1 : i32
    "tpu.region"() ({
      %run_scoped3A = tpu.sem_alloc : memref<!tpu.dma_semaphore, #tpu.memory_space<semaphore_mem>>
      %dma_start3A_7 = tpu.memref_slice %arg3[%mul3A_2] : memref<2048xi32, #tpu.memory_space<hbm>> -> memref<64xi32, #tpu.memory_space<hbm>>
      %dma_start3A_8 = tpu.memref_slice %arg3[%mul3A_2] : memref<2048xi32, #tpu.memory_space<hbm>> -> memref<64xi32, #tpu.memory_space<hbm>>
      tpu.enqueue_dma source(%dma_start3A_8 : memref<64xi32, #tpu.memory_space<hbm>>) target(%arg5 : memref<64xi32, #tpu.memory_space<vmem>>) target_semaphore(%run_scoped3A : memref<!tpu.dma_semaphore, #tpu.memory_space<semaphore_mem>>)
      %dma_wait3A_9 = tpu.memref_slice %arg3[%mul3A_2] : memref<2048xi32, #tpu.memory_space<hbm>> -> memref<64xi32, #tpu.memory_space<hbm>>
      %dma_wait3A_10 = tpu.memref_slice %arg3[%mul3A_2] : memref<2048xi32, #tpu.memory_space<hbm>> -> memref<64xi32, #tpu.memory_space<hbm>>
      tpu.wait_dma2 semaphore(%run_scoped3A : memref<!tpu.dma_semaphore, #tpu.memory_space<semaphore_mem>>) src(%dma_wait3A_10 : memref<64xi32, #tpu.memory_space<hbm>>) dst(%arg5 : memref<64xi32, #tpu.memory_space<vmem>>)
      tpu.yield
    }) : () -> ()
    %dma_start3A = arith.constant 0 : i32
    %dma_start3A_3 = arith.constant 0 : i32
    %dma_start3A_4 = tpu.memref_slice %arg2[%dma_start3A, %dma_start3A_3] : memref<2048x768xf32, #tpu.memory_space<hbm>> -> memref<2048x768xf32, #tpu.memory_space<hbm>>
    tpu.enqueue_indirect_dma source(%dma_start3A_4 : memref<2048x768xf32, #tpu.memory_space<hbm>>) target(%arg6 : memref<64x768xf32, #tpu.memory_space<vmem>>) offsets(%arg5 : memref<64xi32, #tpu.memory_space<vmem>>) semaphore(%arg7 : memref<!tpu.dma_semaphore, #tpu.memory_space<semaphore_mem>>)
    %dma_wait3A = arith.constant 0 : i32
    %dma_wait3A_5 = arith.constant 0 : i32
    %dma_wait3A_6 = tpu.memref_slice %arg2[%dma_wait3A, %dma_wait3A_5] : memref<2048x768xf32, #tpu.memory_space<hbm>> -> memref<2048x768xf32, #tpu.memory_space<hbm>>
    tpu.wait_indirect_dma semaphore(%arg7 : memref<!tpu.dma_semaphore, #tpu.memory_space<semaphore_mem>>) src(%dma_wait3A_6 : memref<2048x768xf32, #tpu.memory_space<hbm>>) dst(%arg6 : memref<64x768xf32, #tpu.memory_space<vmem>>)
    "tpu.region"() ({
      %run_scoped3A = tpu.sem_alloc : memref<!tpu.dma_semaphore, #tpu.memory_space<semaphore_mem>>
      %dma_start3A_7 = arith.constant 0 : i32
      %dma_start3A_8 = tpu.memref_slice %arg4[%mul3A_2, %dma_start3A_7] : memref<2048x768xf32, #tpu.memory_space<hbm>> -> memref<64x768xf32, #tpu.memory_space<hbm>>
      %dma_start3A_9 = arith.constant 0 : i32
      %dma_start3A_10 = tpu.memref_slice %arg4[%mul3A_2, %dma_start3A_9] : memref<2048x768xf32, #tpu.memory_space<hbm>> -> memref<64x768xf32, #tpu.memory_space<hbm>>
      tpu.enqueue_dma source(%arg6 : memref<64x768xf32, #tpu.memory_space<vmem>>) target(%dma_start3A_10 : memref<64x768xf32, #tpu.memory_space<hbm>>) target_semaphore(%run_scoped3A : memref<!tpu.dma_semaphore, #tpu.memory_space<semaphore_mem>>)
      %dma_wait3A_11 = arith.constant 0 : i32
      %dma_wait3A_12 = tpu.memref_slice %arg4[%mul3A_2, %dma_wait3A_11] : memref<2048x768xf32, #tpu.memory_space<hbm>> -> memref<64x768xf32, #tpu.memory_space<hbm>>
      %dma_wait3A_13 = arith.constant 0 : i32
      %dma_wait3A_14 = tpu.memref_slice %arg4[%mul3A_2, %dma_wait3A_13] : memref<2048x768xf32, #tpu.memory_space<hbm>> -> memref<64x768xf32, #tpu.memory_space<hbm>>
      tpu.wait_dma2 semaphore(%run_scoped3A : memref<!tpu.dma_semaphore, #tpu.memory_space<semaphore_mem>>) src(%arg6 : memref<64x768xf32, #tpu.memory_space<vmem>>) dst(%dma_wait3A_14 : memref<64x768xf32, #tpu.memory_space<hbm>>)
      tpu.yield
    }) : () -> ()
    return
  }
}

#map = affine_map<(d0, d1) -> (0, 0)>
#map1 = affine_map<(d0, d1) -> (0)>
module attributes {stable_mosaic.version = 14 : i64} {
  func.func @k(%arg0: i32, %arg1: i32, %arg2: memref<2048x768xf32, #tpu.memory_space<hbm>>, %arg3: memref<2048xi32, #tpu.memory_space<hbm>>, %arg4: memref<2048x768xf32, #tpu.memory_space<hbm>>, %arg5: memref<64xi32, #tpu.memory_space<vmem>>, %arg6: memref<64x768xf32, #tpu.memory_space<vmem>>, %arg7: memref<!tpu.dma_semaphore, #tpu.memory_space<semaphore_mem>>) attributes {dimension_semantics = [#tpu.dimension_semantics<core_parallel>, #tpu.dimension_semantics<subcore_parallel>], iteration_bounds = array<i64: 2, 16>, scalar_prefetch = 0 : i64, scratch_operands = 3 : i64, tpu.core_type = #tpu.core_type<sc_vector_subcore>, window_params = [{transform_indices = #map}, {transform_indices = #map1}, {transform_indices = #map}]} {
    %mul3A = arith.constant 2 : i32
    %mul3A_0 = arith.muli %arg1, %mul3A : i32
    %add3A = arith.addi %mul3A_0, %arg0 : i32
    %mul3A_1 = arith.constant 64 : i32
    %mul3A_2 = arith.muli %add3A, %mul3A_1 : i32
    "tpu.region"() ({
      %run_scoped3A = tpu.sem_alloc : memref<!tpu.dma_semaphore, #tpu.memory_space<semaphore_mem>>
      %dma_start3A_7 = tpu.memref_slice %arg3[%mul3A_2] : memref<2048xi32, #tpu.memory_space<hbm>> -> memref<64xi32, #tpu.memory_space<hbm>>
      %dma_start3A_8 = tpu.memref_slice %arg3[%mul3A_2] : memref<2048xi32, #tpu.memory_space<hbm>> -> memref<64xi32, #tpu.memory_space<hbm>>
      tpu.enqueue_dma source(%dma_start3A_8 : memref<64xi32, #tpu.memory_space<hbm>>) target(%arg5 : memref<64xi32, #tpu.memory_space<vmem>>) target_semaphore(%run_scoped3A : memref<!tpu.dma_semaphore, #tpu.memory_space<semaphore_mem>>)
      %dma_wait3A_9 = tpu.memref_slice %arg3[%mul3A_2] : memref<2048xi32, #tpu.memory_space<hbm>> -> memref<64xi32, #tpu.memory_space<hbm>>
      %dma_wait3A_10 = tpu.memref_slice %arg3[%mul3A_2] : memref<2048xi32, #tpu.memory_space<hbm>> -> memref<64xi32, #tpu.memory_space<hbm>>
      tpu.wait_dma2 semaphore(%run_scoped3A : memref<!tpu.dma_semaphore, #tpu.memory_space<semaphore_mem>>) src(%dma_wait3A_10 : memref<64xi32, #tpu.memory_space<hbm>>) dst(%arg5 : memref<64xi32, #tpu.memory_space<vmem>>)
      tpu.yield
    }) : () -> ()
    "tpu.region"() ({
      %run_scoped3A = tpu.sem_alloc : memref<!tpu.dma_semaphore, #tpu.memory_space<semaphore_mem>>
      %dma_start3A_7 = arith.constant 0 : i32
      %dma_start3A_8 = tpu.memref_slice %arg2[%mul3A_2, %dma_start3A_7] : memref<2048x768xf32, #tpu.memory_space<hbm>> -> memref<64x768xf32, #tpu.memory_space<hbm>>
      %dma_start3A_9 = arith.constant 0 : i32
      %dma_start3A_10 = tpu.memref_slice %arg2[%mul3A_2, %dma_start3A_9] : memref<2048x768xf32, #tpu.memory_space<hbm>> -> memref<64x768xf32, #tpu.memory_space<hbm>>
      tpu.enqueue_dma source(%dma_start3A_10 : memref<64x768xf32, #tpu.memory_space<hbm>>) target(%arg6 : memref<64x768xf32, #tpu.memory_space<vmem>>) target_semaphore(%run_scoped3A : memref<!tpu.dma_semaphore, #tpu.memory_space<semaphore_mem>>)
      %dma_wait3A_11 = arith.constant 0 : i32
      %dma_wait3A_12 = tpu.memref_slice %arg2[%mul3A_2, %dma_wait3A_11] : memref<2048x768xf32, #tpu.memory_space<hbm>> -> memref<64x768xf32, #tpu.memory_space<hbm>>
      %dma_wait3A_13 = arith.constant 0 : i32
      %dma_wait3A_14 = tpu.memref_slice %arg2[%mul3A_2, %dma_wait3A_13] : memref<2048x768xf32, #tpu.memory_space<hbm>> -> memref<64x768xf32, #tpu.memory_space<hbm>>
      tpu.wait_dma2 semaphore(%run_scoped3A : memref<!tpu.dma_semaphore, #tpu.memory_space<semaphore_mem>>) src(%dma_wait3A_14 : memref<64x768xf32, #tpu.memory_space<hbm>>) dst(%arg6 : memref<64x768xf32, #tpu.memory_space<vmem>>)
      tpu.yield
    }) : () -> ()
    %dma_start3A = arith.constant 0 : i32
    %dma_start3A_3 = arith.constant 0 : i32
    %dma_start3A_4 = tpu.memref_slice %arg4[%dma_start3A, %dma_start3A_3] : memref<2048x768xf32, #tpu.memory_space<hbm>> -> memref<2048x768xf32, #tpu.memory_space<hbm>>
    tpu.enqueue_indirect_dma source(%arg6 : memref<64x768xf32, #tpu.memory_space<vmem>>) target(%dma_start3A_4 : memref<2048x768xf32, #tpu.memory_space<hbm>>) offsets(%arg5 : memref<64xi32, #tpu.memory_space<vmem>>) semaphore(%arg7 : memref<!tpu.dma_semaphore, #tpu.memory_space<semaphore_mem>>)
    %dma_wait3A = arith.constant 0 : i32
    %dma_wait3A_5 = arith.constant 0 : i32
    %dma_wait3A_6 = tpu.memref_slice %arg4[%dma_wait3A, %dma_wait3A_5] : memref<2048x768xf32, #tpu.memory_space<hbm>> -> memref<2048x768xf32, #tpu.memory_space<hbm>>
    tpu.wait_indirect_dma semaphore(%arg7 : memref<!tpu.dma_semaphore, #tpu.memory_space<semaphore_mem>>) src(%arg6 : memref<64x768xf32, #tpu.memory_space<vmem>>) dst(%dma_wait3A_6 : memref<2048x768xf32, #tpu.memory_space<hbm>>)
    return
  }
}

module attributes {stable_mosaic.version = 14 : i64} {
  func.func @_routing_body(%arg0: memref<2048x768xf32, #tpu.memory_space<vmem>>, %arg1: memref<64x768xf32, #tpu.memory_space<vmem>>, %arg2: memref<1x64xf32, #tpu.memory_space<vmem>>, %arg3: memref<2048x1xi32, #tpu.memory_space<vmem>>, %arg4: memref<1x65xi32, #tpu.memory_space<vmem>>, %arg5: memref<72x1xi32, #tpu.memory_space<vmem>>, %arg6: memref<72x1xi32, #tpu.memory_space<vmem>>) attributes {dimension_semantics = [], scalar_prefetch = 0 : i64, scratch_operands = 0 : i64, tpu.core_type = #tpu.core_type<tc>} {
    %get3A = arith.constant 0 : index
    %get3A_0 = arith.constant 0 : index
    %get3A_1 = vector.load %arg0[%get3A, %get3A_0] : memref<2048x768xf32, #tpu.memory_space<vmem>>, vector<2048x768xf32>
    %get3A_2 = arith.constant 0 : index
    %get3A_3 = arith.constant 0 : index
    %get3A_4 = vector.load %arg1[%get3A_2, %get3A_3] : memref<64x768xf32, #tpu.memory_space<vmem>>, vector<64x768xf32>
    %dot_general3A = arith.constant dense<0.000000e+00> : vector<2048x64xf32>
    %dot_general3A_5 = tpu.matmul %get3A_1, %get3A_4, %dot_general3A {dimension_numbers = #tpu.dot_dimension_numbers<[1], [1], [0], [0], [0, 0, 1, 0], [], []>, transpose_lhs_hint = false} : vector<2048x768xf32>, vector<64x768xf32>, vector<2048x64xf32> -> vector<2048x64xf32>
    %get3A_6 = arith.constant 0 : index
    %get3A_7 = arith.constant 0 : index
    %get3A_8 = vector.load %arg2[%get3A_6, %get3A_7] : memref<1x64xf32, #tpu.memory_space<vmem>>, vector<1x64xf32>
    %add3A = vector.broadcast %get3A_8 : vector<1x64xf32> to vector<2048x64xf32>
    %add3A_9 = arith.addf %dot_general3A_5, %add3A : vector<2048x64xf32>
    %argmax3A = tpu.reduce_index %add3A_9 {axis = 1 : i32, kind = #tpu.reduction_kind<arg_max>} : vector<2048x64xf32> -> vector<2048xi32>
    %broadcast_in_dim3A = vector.shape_cast %argmax3A : vector<2048xi32> to vector<2048x1xi32>
    %iota3A = tpu.iota {dimensions = array<i32: 1>} : vector<2048x64xi32>
    %eq3A = vector.broadcast %broadcast_in_dim3A : vector<2048x1xi32> to vector<2048x64xi32>
    %eq3A_10 = arith.cmpi eq, %iota3A, %eq3A : vector<2048x64xi32>
    %convert_element_type3A = arith.extui %eq3A_10 : vector<2048x64xi1> to vector<2048x64xi32>
    %convert_element_type3A_11 = arith.sitofp %convert_element_type3A : vector<2048x64xi32> to vector<2048x64xf32>
    %reduce_sum3A = arith.constant dense<0.000000e+00> : vector<64xf32>
    %reduce_sum3A_12 = vector.multi_reduction <add>, %convert_element_type3A_11, %reduce_sum3A [0] : vector<2048x64xf32> to vector<64xf32>
    %broadcast_in_dim3A_13 = vector.shape_cast %reduce_sum3A_12 : vector<64xf32> to vector<1x64xf32>
    %iota3A_14 = tpu.iota {dimensions = array<i32: 0>} : vector<2048x2048xi32>
    %iota3A_15 = tpu.iota {dimensions = array<i32: 1>} : vector<2048x2048xi32>
    %lt3A = arith.cmpi slt, %iota3A_15, %iota3A_14 : vector<2048x2048xi32>
    %convert_element_type3A_16 = arith.extui %lt3A : vector<2048x2048xi1> to vector<2048x2048xi32>
    %convert_element_type3A_17 = arith.sitofp %convert_element_type3A_16 : vector<2048x2048xi32> to vector<2048x2048xf32>
    %dot_general3A_18 = arith.constant dense<0.000000e+00> : vector<2048x64xf32>
    %dot_general3A_19 = tpu.matmul %convert_element_type3A_17, %convert_element_type3A_11, %dot_general3A_18 {dimension_numbers = #tpu.dot_dimension_numbers<[1], [0], [0], [1], [0, 0, 1, 1], [], []>, transpose_lhs_hint = false} : vector<2048x2048xf32>, vector<2048x64xf32>, vector<2048x64xf32> -> vector<2048x64xf32>
    %mul3A = arith.mulf %dot_general3A_19, %convert_element_type3A_11 : vector<2048x64xf32>
    %reduce_sum3A_20 = arith.constant dense<0.000000e+00> : vector<2048xf32>
    %reduce_sum3A_21 = vector.multi_reduction <add>, %mul3A, %reduce_sum3A_20 [1] : vector<2048x64xf32> to vector<2048xf32>
    %broadcast_in_dim3A_22 = vector.shape_cast %reduce_sum3A_21 : vector<2048xf32> to vector<2048x1xf32>
    %iota3A_23 = tpu.iota {dimensions = array<i32: 0>} : vector<64x64xi32>
    %iota3A_24 = tpu.iota {dimensions = array<i32: 1>} : vector<64x64xi32>
    %lt3A_25 = arith.cmpi slt, %iota3A_23, %iota3A_24 : vector<64x64xi32>
    %convert_element_type3A_26 = arith.extui %lt3A_25 : vector<64x64xi1> to vector<64x64xi32>
    %convert_element_type3A_27 = arith.sitofp %convert_element_type3A_26 : vector<64x64xi32> to vector<64x64xf32>
    %le3A = arith.cmpi sle, %iota3A_23, %iota3A_24 : vector<64x64xi32>
    %convert_element_type3A_28 = arith.extui %le3A : vector<64x64xi1> to vector<64x64xi32>
    %convert_element_type3A_29 = arith.sitofp %convert_element_type3A_28 : vector<64x64xi32> to vector<64x64xf32>
    %dot_general3A_30 = arith.constant dense<0.000000e+00> : vector<1x64xf32>
    %dot_general3A_31 = tpu.matmul %broadcast_in_dim3A_13, %convert_element_type3A_27, %dot_general3A_30 {dimension_numbers = #tpu.dot_dimension_numbers<[1], [0], [0], [1], [0, 0, 1, 1], [], []>, transpose_lhs_hint = false} : vector<1x64xf32>, vector<64x64xf32>, vector<1x64xf32> -> vector<1x64xf32>
    %dot_general3A_32 = arith.constant dense<0.000000e+00> : vector<1x64xf32>
    %dot_general3A_33 = tpu.matmul %broadcast_in_dim3A_13, %convert_element_type3A_29, %dot_general3A_32 {dimension_numbers = #tpu.dot_dimension_numbers<[1], [0], [0], [1], [0, 0, 1, 1], [], []>, transpose_lhs_hint = false} : vector<1x64xf32>, vector<64x64xf32>, vector<1x64xf32> -> vector<1x64xf32>
    %mul3A_34 = vector.broadcast %dot_general3A_31 : vector<1x64xf32> to vector<2048x64xf32>
    %mul3A_35 = arith.mulf %convert_element_type3A_11, %mul3A_34 : vector<2048x64xf32>
    %reduce_sum3A_36 = arith.constant dense<0.000000e+00> : vector<2048xf32>
    %reduce_sum3A_37 = vector.multi_reduction <add>, %mul3A_35, %reduce_sum3A_36 [1] : vector<2048x64xf32> to vector<2048xf32>
    %broadcast_in_dim3A_38 = vector.shape_cast %reduce_sum3A_37 : vector<2048xf32> to vector<2048x1xf32>
    %add3A_39 = arith.addf %broadcast_in_dim3A_38, %broadcast_in_dim3A_22 : vector<2048x1xf32>
    %convert_element_type3A_40 = arith.fptosi %add3A_39 : vector<2048x1xf32> to vector<2048x1xi32>
    %swap3A = arith.constant 0 : index
    %swap3A_41 = arith.constant 0 : index
    %swap3A_42 = vector.load %arg3[%swap3A, %swap3A_41] : memref<2048x1xi32, #tpu.memory_space<vmem>>, vector<2048x1xi32>
    tpu.vector_store %arg3[%swap3A, %swap3A_41], %convert_element_type3A_40 {strides = array<i32>} : memref<2048x1xi32, #tpu.memory_space<vmem>>, vector<2048x1xi32>,
    %broadcast_in_dim3A_43 = arith.constant 0.000000e+00 : f32
    %broadcast_in_dim3A_44 = vector.broadcast %broadcast_in_dim3A_43 : f32 to vector<1x1xf32>
    %concatenate3A = tpu.concatenate %broadcast_in_dim3A_44, %dot_general3A_33 in 1 : vector<1x1xf32>, vector<1x64xf32> -> vector<1x65xf32>
    %convert_element_type3A_45 = arith.fptosi %concatenate3A : vector<1x65xf32> to vector<1x65xi32>
    %swap3A_46 = arith.constant 0 : index
    %swap3A_47 = arith.constant 0 : index
    %swap3A_48 = vector.load %arg4[%swap3A_46, %swap3A_47] : memref<1x65xi32, #tpu.memory_space<vmem>>, vector<1x65xi32>
    tpu.vector_store %arg4[%swap3A_46, %swap3A_47], %convert_element_type3A_45 {strides = array<i32>} : memref<1x65xi32, #tpu.memory_space<vmem>>, vector<1x65xi32>,
    %convert_element_type3A_49 = arith.fptosi %dot_general3A_31 : vector<1x64xf32> to vector<1x64xi32>
    %convert_element_type3A_50 = arith.fptosi %dot_general3A_33 : vector<1x64xf32> to vector<1x64xi32>
    %sub3A = arith.subi %convert_element_type3A_50, %convert_element_type3A_49 : vector<1x64xi32>
    %shift_right_arithmetic3A = arith.constant 8 : i32
    %shift_right_arithmetic3A_51 = vector.broadcast %shift_right_arithmetic3A : i32 to vector<1x64xi32>
    %shift_right_arithmetic3A_52 = arith.shrsi %convert_element_type3A_49, %shift_right_arithmetic3A_51 : vector<1x64xi32>
    %sub3A_53 = arith.constant 1 : i32
    %sub3A_54 = vector.broadcast %sub3A_53 : i32 to vector<1x64xi32>
    %sub3A_55 = arith.subi %convert_element_type3A_50, %sub3A_54 : vector<1x64xi32>
    %shift_right_arithmetic3A_56 = arith.constant 8 : i32
    %shift_right_arithmetic3A_57 = vector.broadcast %shift_right_arithmetic3A_56 : i32 to vector<1x64xi32>
    %shift_right_arithmetic3A_58 = arith.shrsi %sub3A_55, %shift_right_arithmetic3A_57 : vector<1x64xi32>
    %gt3A = arith.constant 0 : i32
    %gt3A_59 = vector.broadcast %gt3A : i32 to vector<1x64xi32>
    %gt3A_60 = arith.cmpi sgt, %sub3A, %gt3A_59 : vector<1x64xi32>
    %sub3A_61 = arith.subi %shift_right_arithmetic3A_58, %shift_right_arithmetic3A_52 : vector<1x64xi32>
    %add3A_62 = arith.constant 1 : i32
    %add3A_63 = vector.broadcast %add3A_62 : i32 to vector<1x64xi32>
    %add3A_64 = arith.addi %sub3A_61, %add3A_63 : vector<1x64xi32>
    %jit3A = arith.constant 0 : i32
    %broadcast_in_dim3A_65 = vector.broadcast %jit3A : i32 to vector<1x64xi32>
    %select_n3A = arith.select %gt3A_60, %add3A_64, %broadcast_in_dim3A_65 : vector<1x64xi1>, vector<1x64xi32>
    %convert_element_type3A_66 = arith.sitofp %select_n3A : vector<1x64xi32> to vector<1x64xf32>
    %dot_general3A_67 = arith.constant dense<0.000000e+00> : vector<1x64xf32>
    %dot_general3A_68 = tpu.matmul %convert_element_type3A_66, %convert_element_type3A_29, %dot_general3A_67 {dimension_numbers = #tpu.dot_dimension_numbers<[1], [0], [0], [1], [0, 0, 1, 1], [], []>, transpose_lhs_hint = false} : vector<1x64xf32>, vector<64x64xf32>, vector<1x64xf32> -> vector<1x64xf32>
    %sub3A_69 = arith.subf %dot_general3A_68, %convert_element_type3A_66 : vector<1x64xf32>
    %reduce_sum3A_70 = vector.shape_cast %select_n3A : vector<1x64xi32> to vector<1x1x64xi32>
    %reduce_sum3A_71 = arith.constant dense<0> : vector<1xi32>
    %reduce_sum3A_72 = vector.multi_reduction <add>, %reduce_sum3A_70, %reduce_sum3A_71 [1, 2] : vector<1x1x64xi32> to vector<1xi32>
    %reduce_sum3A_73 = vector.shape_cast %reduce_sum3A_72 : vector<1xi32> to vector<1x1x1xi32>
    %reduce_sum3A_74 = vector.extract %reduce_sum3A_73[0, 0, 0] : i32 from vector<1x1x1xi32>
    %iota3A_75 = tpu.iota {dimensions = array<i32: 0>} : vector<72x1xi32>
    %sub3A_76 = arith.constant 1 : i32
    %sub3A_77 = arith.subi %reduce_sum3A_74, %sub3A_76 : i32
    %min3A = vector.broadcast %sub3A_77 : i32 to vector<72x1xi32>
    %min3A_78 = arith.minsi %iota3A_75, %min3A : vector<72x1xi32>
    %convert_element_type3A_79 = arith.sitofp %min3A_78 : vector<72x1xi32> to vector<72x1xf32>
    %le3A_80 = vector.broadcast %dot_general3A_68 : vector<1x64xf32> to vector<72x64xf32>
    %le3A_81 = vector.broadcast %convert_element_type3A_79 : vector<72x1xf32> to vector<72x64xf32>
    %le3A_82 = arith.cmpf ole, %le3A_80, %le3A_81 : vector<72x64xf32>
    %convert_element_type3A_83 = arith.extui %le3A_82 : vector<72x64xi1> to vector<72x64xi32>
    %reduce_sum3A_84 = arith.constant dense<0> : vector<72xi32>
    %reduce_sum3A_85 = vector.multi_reduction <add>, %convert_element_type3A_83, %reduce_sum3A_84 [1] : vector<72x64xi32> to vector<72xi32>
    %broadcast_in_dim3A_86 = vector.shape_cast %reduce_sum3A_85 : vector<72xi32> to vector<72x1xi32>
    %iota3A_87 = tpu.iota {dimensions = array<i32: 1>} : vector<72x64xi32>
    %eq3A_88 = vector.broadcast %broadcast_in_dim3A_86 : vector<72x1xi32> to vector<72x64xi32>
    %eq3A_89 = arith.cmpi eq, %iota3A_87, %eq3A_88 : vector<72x64xi32>
    %convert_element_type3A_90 = arith.extui %eq3A_89 : vector<72x64xi1> to vector<72x64xi32>
    %convert_element_type3A_91 = arith.sitofp %convert_element_type3A_90 : vector<72x64xi32> to vector<72x64xf32>
    %convert_element_type3A_92 = arith.sitofp %shift_right_arithmetic3A_52 : vector<1x64xi32> to vector<1x64xf32>
    %mul3A_93 = vector.broadcast %convert_element_type3A_92 : vector<1x64xf32> to vector<72x64xf32>
    %mul3A_94 = arith.mulf %convert_element_type3A_91, %mul3A_93 : vector<72x64xf32>
    %reduce_sum3A_95 = arith.constant dense<0.000000e+00> : vector<72xf32>
    %reduce_sum3A_96 = vector.multi_reduction <add>, %mul3A_94, %reduce_sum3A_95 [1] : vector<72x64xf32> to vector<72xf32>
    %broadcast_in_dim3A_97 = vector.shape_cast %reduce_sum3A_96 : vector<72xf32> to vector<72x1xf32>
    %mul3A_98 = vector.broadcast %sub3A_69 : vector<1x64xf32> to vector<72x64xf32>
    %mul3A_99 = arith.mulf %convert_element_type3A_91, %mul3A_98 : vector<72x64xf32>
    %reduce_sum3A_100 = arith.constant dense<0.000000e+00> : vector<72xf32>
    %reduce_sum3A_101 = vector.multi_reduction <add>, %mul3A_99, %reduce_sum3A_100 [1] : vector<72x64xf32> to vector<72xf32>
    %broadcast_in_dim3A_102 = vector.shape_cast %reduce_sum3A_101 : vector<72xf32> to vector<72x1xf32>
    %convert_element_type3A_103 = arith.fptosi %broadcast_in_dim3A_97 : vector<72x1xf32> to vector<72x1xi32>
    %add3A_104 = arith.addi %convert_element_type3A_103, %min3A_78 : vector<72x1xi32>
    %convert_element_type3A_105 = arith.fptosi %broadcast_in_dim3A_102 : vector<72x1xf32> to vector<72x1xi32>
    %sub3A_106 = arith.subi %add3A_104, %convert_element_type3A_105 : vector<72x1xi32>
    %swap3A_107 = arith.constant 0 : index
    %swap3A_108 = arith.constant 0 : index
    %swap3A_109 = vector.load %arg5[%swap3A_107, %swap3A_108] : memref<72x1xi32, #tpu.memory_space<vmem>>, vector<72x1xi32>
    tpu.vector_store %arg5[%swap3A_107, %swap3A_108], %sub3A_106 {strides = array<i32>} : memref<72x1xi32, #tpu.memory_space<vmem>>, vector<72x1xi32>,
    %swap3A_110 = arith.constant 0 : index
    %swap3A_111 = arith.constant 0 : index
    %swap3A_112 = vector.load %arg6[%swap3A_110, %swap3A_111] : memref<72x1xi32, #tpu.memory_space<vmem>>, vector<72x1xi32>
    tpu.vector_store %arg6[%swap3A_110, %swap3A_111], %broadcast_in_dim3A_86 {strides = array<i32>} : memref<72x1xi32, #tpu.memory_space<vmem>>, vector<72x1xi32>,
    return
  }
}

module attributes {stable_mosaic.version = 14 : i64} {
  func.func @_ffn_body(%arg0: i32, %arg1: memref<72xi32, #tpu.memory_space<smem>>, %arg2: memref<72xi32, #tpu.memory_space<smem>>, %arg3: memref<65xi32, #tpu.memory_space<smem>>, %arg4: memref<256x768xf32, #tpu.memory_space<vmem>>, %arg5: memref<1x2048x768xf32, #tpu.memory_space<vmem>>, %arg6: memref<1x1x2048xf32, #tpu.memory_space<vmem>>, %arg7: memref<1x768x2048xf32, #tpu.memory_space<vmem>>, %arg8: memref<1x1x768xf32, #tpu.memory_space<vmem>>, %arg9: memref<256x768xf32, #tpu.memory_space<vmem>>) attributes {dimension_semantics = [#tpu.dimension_semantics<arbitrary>], iteration_bounds = array<i64: 72>, scalar_prefetch = 3 : i64, scratch_operands = 0 : i64, tpu.core_type = #tpu.core_type<tc>, window_params = [{transform_indices = @transform_0, window_bounds = array<i64: 256, 768>}, {transform_indices = @transform_1, window_bounds = array<i64: 1, 2048, 768>}, {transform_indices = @transform_2, window_bounds = array<i64: 1, 1, 2048>}, {transform_indices = @transform_3, window_bounds = array<i64: 1, 768, 2048>}, {transform_indices = @transform_4, window_bounds = array<i64: 1, 1, 768>}, {transform_indices = @transform_5, window_bounds = array<i64: 256, 768>}]} {
    %get3A = arith.index_cast %arg0 : i32 to index
    %get3A_0 = memref.load %arg2[%get3A] : memref<72xi32, #tpu.memory_space<smem>>
    %get3A_1 = arith.index_cast %get3A_0 : i32 to index
    %get3A_2 = memref.load %arg3[%get3A_1] : memref<65xi32, #tpu.memory_space<smem>>
    %add3A = arith.constant 1 : i32
    %add3A_3 = arith.addi %get3A_0, %add3A : i32
    %get3A_4 = arith.index_cast %add3A_3 : i32 to index
    %get3A_5 = memref.load %arg3[%get3A_4] : memref<65xi32, #tpu.memory_space<smem>>
    %get3A_6 = arith.index_cast %arg0 : i32 to index
    %get3A_7 = memref.load %arg1[%get3A_6] : memref<72xi32, #tpu.memory_space<smem>>
    %get3A_8 = arith.constant 0 : index
    %get3A_9 = arith.constant 0 : index
    %get3A_10 = vector.load %arg4[%get3A_8, %get3A_9] : memref<256x768xf32, #tpu.memory_space<vmem>>, vector<256x768xf32>
    %get3A_11 = arith.constant 0 : index
    %get3A_12 = arith.constant 0 : index
    %get3A_13 = arith.constant 0 : index
    %get3A_14 = vector.load %arg5[%get3A_11, %get3A_12, %get3A_13] : memref<1x2048x768xf32, #tpu.memory_space<vmem>>, vector<1x2048x768xf32>
    %get3A_15 = vector.shape_cast %get3A_14 : vector<1x2048x768xf32> to vector<2048x768xf32>
    %dot_general3A = arith.constant dense<0.000000e+00> : vector<256x2048xf32>
    %dot_general3A_16 = tpu.matmul %get3A_10, %get3A_15, %dot_general3A {dimension_numbers = #tpu.dot_dimension_numbers<[1], [1], [0], [0], [0, 0, 1, 0], [], []>, transpose_lhs_hint = false} : vector<256x768xf32>, vector<2048x768xf32>, vector<256x2048xf32> -> vector<256x2048xf32>
    %get3A_17 = arith.constant 0 : index
    %get3A_18 = arith.constant 0 : index
    %get3A_19 = arith.constant 0 : index
    %get3A_20 = vector.load %arg6[%get3A_17, %get3A_18, %get3A_19] : memref<1x1x2048xf32, #tpu.memory_space<vmem>>, vector<1x1x2048xf32>
    %get3A_21 = vector.shape_cast %get3A_20 : vector<1x1x2048xf32> to vector<1x2048xf32>
    %add3A_22 = vector.broadcast %get3A_21 : vector<1x2048xf32> to vector<256x2048xf32>
    %add3A_23 = arith.addf %dot_general3A_16, %add3A_22 : vector<256x2048xf32>
    %mul3A = arith.constant 5.000000e-01 : f32
    %mul3A_24 = vector.broadcast %mul3A : f32 to vector<256x2048xf32>
    %mul3A_25 = arith.mulf %mul3A_24, %add3A_23 : vector<256x2048xf32>
    %mul3A_26 = arith.constant 0.707106769 : f32
    %mul3A_27 = vector.broadcast %mul3A_26 : f32 to vector<256x2048xf32>
    %mul3A_28 = arith.mulf %add3A_23, %mul3A_27 : vector<256x2048xf32>
    %erf3A = math.erf %mul3A_28 : vector<256x2048xf32>
    %add3A_29 = arith.constant 1.000000e+00 : f32
    %add3A_30 = vector.broadcast %add3A_29 : f32 to vector<256x2048xf32>
    %add3A_31 = arith.addf %add3A_30, %erf3A : vector<256x2048xf32>
    %mul3A_32 = arith.mulf %mul3A_25, %add3A_31 : vector<256x2048xf32>
    %get3A_33 = arith.constant 0 : index
    %get3A_34 = arith.constant 0 : index
    %get3A_35 = arith.constant 0 : index
    %get3A_36 = vector.load %arg7[%get3A_33, %get3A_34, %get3A_35] : memref<1x768x2048xf32, #tpu.memory_space<vmem>>, vector<1x768x2048xf32>
    %get3A_37 = vector.shape_cast %get3A_36 : vector<1x768x2048xf32> to vector<768x2048xf32>
    %dot_general3A_38 = arith.constant dense<0.000000e+00> : vector<256x768xf32>
    %dot_general3A_39 = tpu.matmul %mul3A_32, %get3A_37, %dot_general3A_38 {dimension_numbers = #tpu.dot_dimension_numbers<[1], [1], [0], [0], [0, 0, 1, 0], [], []>, transpose_lhs_hint = false} : vector<256x2048xf32>, vector<768x2048xf32>, vector<256x768xf32> -> vector<256x768xf32>
    %get3A_40 = arith.constant 0 : index
    %get3A_41 = arith.constant 0 : index
    %get3A_42 = arith.constant 0 : index
    %get3A_43 = vector.load %arg8[%get3A_40, %get3A_41, %get3A_42] : memref<1x1x768xf32, #tpu.memory_space<vmem>>, vector<1x1x768xf32>
    %get3A_44 = vector.shape_cast %get3A_43 : vector<1x1x768xf32> to vector<1x768xf32>
    %add3A_45 = vector.broadcast %get3A_44 : vector<1x768xf32> to vector<256x768xf32>
    %add3A_46 = arith.addf %dot_general3A_39, %add3A_45 : vector<256x768xf32>
    %mul3A_47 = arith.constant 256 : i32
    %mul3A_48 = arith.muli %get3A_7, %mul3A_47 : i32
    %iota3A = tpu.iota {dimensions = array<i32: 0>} : vector<256x1xi32>
    %add3A_49 = vector.broadcast %mul3A_48 : i32 to vector<256x1xi32>
    %add3A_50 = arith.addi %add3A_49, %iota3A : vector<256x1xi32>
    %ge3A = vector.broadcast %get3A_2 : i32 to vector<256x1xi32>
    %ge3A_51 = arith.cmpi sge, %add3A_50, %ge3A : vector<256x1xi32>
    %lt3A = vector.broadcast %get3A_5 : i32 to vector<256x1xi32>
    %lt3A_52 = arith.cmpi slt, %add3A_50, %lt3A : vector<256x1xi32>
    %and3A = arith.andi %ge3A_51, %lt3A_52 : vector<256x1xi1>
    %get3A_53 = arith.constant 0 : index
    %get3A_54 = arith.constant 0 : index
    %get3A_55 = vector.load %arg9[%get3A_53, %get3A_54] : memref<256x768xf32, #tpu.memory_space<vmem>>, vector<256x768xf32>
    %broadcast_in_dim3A = vector.shape_cast %and3A : vector<256x1xi1> to vector<256x1xi1>
    %broadcast_in_dim3A_56 = vector.broadcast %broadcast_in_dim3A : vector<256x1xi1> to vector<256x768xi1>
    %select_n3A = arith.select %broadcast_in_dim3A_56, %add3A_46, %get3A_55 : vector<256x768xi1>, vector<256x768xf32>
    %swap3A = arith.constant 0 : index
    %swap3A_57 = arith.constant 0 : index
    %swap3A_58 = vector.load %arg9[%swap3A, %swap3A_57] : memref<256x768xf32, #tpu.memory_space<vmem>>, vector<256x768xf32>
    tpu.vector_store %arg9[%swap3A, %swap3A_57], %select_n3A {strides = array<i32>} : memref<256x768xf32, #tpu.memory_space<vmem>>, vector<256x768xf32>,
    return
  }
  func.func @transform_0(%arg0: i32, %arg1: memref<72xi32, #tpu.memory_space<smem>>, %arg2: memref<72xi32, #tpu.memory_space<smem>>, %arg3: memref<65xi32, #tpu.memory_space<smem>>) -> (i32, i32) {
    %get3A = arith.index_cast %arg0 : i32 to index
    %get3A_0 = memref.load %arg1[%get3A] : memref<72xi32, #tpu.memory_space<smem>>
    %c0_i32 = arith.constant 0 : i32
    %c0_i32_1 = arith.constant 0 : i32
    return %get3A_0, %c0_i32 : i32, i32
  }
  func.func @transform_1(%arg0: i32, %arg1: memref<72xi32, #tpu.memory_space<smem>>, %arg2: memref<72xi32, #tpu.memory_space<smem>>, %arg3: memref<65xi32, #tpu.memory_space<smem>>) -> (i32, i32, i32) {
    %get3A = arith.index_cast %arg0 : i32 to index
    %get3A_0 = memref.load %arg2[%get3A] : memref<72xi32, #tpu.memory_space<smem>>
    %c0_i32 = arith.constant 0 : i32
    %c0_i32_1 = arith.constant 0 : i32
    %c0_i32_2 = arith.constant 0 : i32
    return %get3A_0, %c0_i32, %c0_i32_1 : i32, i32, i32
  }
  func.func @transform_2(%arg0: i32, %arg1: memref<72xi32, #tpu.memory_space<smem>>, %arg2: memref<72xi32, #tpu.memory_space<smem>>, %arg3: memref<65xi32, #tpu.memory_space<smem>>) -> (i32, i32, i32) {
    %get3A = arith.index_cast %arg0 : i32 to index
    %get3A_0 = memref.load %arg2[%get3A] : memref<72xi32, #tpu.memory_space<smem>>
    %c0_i32 = arith.constant 0 : i32
    %c0_i32_1 = arith.constant 0 : i32
    %c0_i32_2 = arith.constant 0 : i32
    return %get3A_0, %c0_i32, %c0_i32_1 : i32, i32, i32
  }
  func.func @transform_3(%arg0: i32, %arg1: memref<72xi32, #tpu.memory_space<smem>>, %arg2: memref<72xi32, #tpu.memory_space<smem>>, %arg3: memref<65xi32, #tpu.memory_space<smem>>) -> (i32, i32, i32) {
    %get3A = arith.index_cast %arg0 : i32 to index
    %get3A_0 = memref.load %arg2[%get3A] : memref<72xi32, #tpu.memory_space<smem>>
    %c0_i32 = arith.constant 0 : i32
    %c0_i32_1 = arith.constant 0 : i32
    %c0_i32_2 = arith.constant 0 : i32
    return %get3A_0, %c0_i32, %c0_i32_1 : i32, i32, i32
  }
  func.func @transform_4(%arg0: i32, %arg1: memref<72xi32, #tpu.memory_space<smem>>, %arg2: memref<72xi32, #tpu.memory_space<smem>>, %arg3: memref<65xi32, #tpu.memory_space<smem>>) -> (i32, i32, i32) {
    %get3A = arith.index_cast %arg0 : i32 to index
    %get3A_0 = memref.load %arg2[%get3A] : memref<72xi32, #tpu.memory_space<smem>>
    %c0_i32 = arith.constant 0 : i32
    %c0_i32_1 = arith.constant 0 : i32
    %c0_i32_2 = arith.constant 0 : i32
    return %get3A_0, %c0_i32, %c0_i32_1 : i32, i32, i32
  }
  func.func @transform_5(%arg0: i32, %arg1: memref<72xi32, #tpu.memory_space<smem>>, %arg2: memref<72xi32, #tpu.memory_space<smem>>, %arg3: memref<65xi32, #tpu.memory_space<smem>>) -> (i32, i32) {
    %get3A = arith.index_cast %arg0 : i32 to index
    %get3A_0 = memref.load %arg1[%get3A] : memref<72xi32, #tpu.memory_space<smem>>
    %c0_i32 = arith.constant 0 : i32
    %c0_i32_1 = arith.constant 0 : i32
    return %get3A_0, %c0_i32 : i32, i32
  }
}

</mosaic_0001>

<sc_bundles>
// kernel: kernel.6.cloned.1.call-start
scs
__scs_entry_jumppad:
0x0: {  	(pc) =	sbr.rel $0x88, $3  }
0x1: {  	(tag) =	ssettag $0x0;
	lr =	simm.s32 $0x1  }
0x2: {  	[smem:$0x3F9A] =	sst lr;
	_ =	strace $0xD0000000  }
0x3: {  	_ = 	snop  }
0x4: {  	_ = 	snop  }
0x5: {  	_ = 	snop  }
0x6: {  	_ = 	snop  }
0x7: {  	_ = 	snop  }
__scs_overlays_trampoline_lowered:
0x8: {  	[smem:$0x3FA9] =	sst s0  }
0x9: {  	[smem:$0x3FAA] =	sst s1  }
0xa: {  	[smem:$0x3FAB] =	sst s2  }
0xb: {  	[smem:$0x3FAC] =	sst s3  }
0xc: {  	[smem:$0x3FAD] =	sst s4  }
0xd: {  	[smem:$0x3FAE] =	sst s5  }
0xe: {  	[smem:$0x3FAF] =	sst s6  }
0xf: {  	[smem:$0x3FB0] =	sst s7  }
0x10: {  	[smem:$0x3FB1] =	sst s8  }
0x11: {  	[smem:$0x3FB2] =	sst s9;
	s0 =	simm.s32 @!p0 $0x0  }
0x12: {  	s1 =	sld [smem:$0x3F98];
	s0 =	simm.s32 @p0 $0x1  }
0x13: {  	[smem:$0x3FB3] =	sst s0;
	s0 =	simm.s32 @!p1 $0x0  }
0x14: {  	s2 =	sld [smem:$0x3F97];
	s0 =	simm.s32 @p1 $0x1  }
0x15: {  	[smem:$0x3FB4] =	sst s0;
	s0 =	simm.s32 @!p2 $0x0  }
0x16: {  	s3 =	sld [smem:$0x3FDB];
	s0 =	simm.s32 @p2 $0x1  }
0x17: {  	s4 =	simm.s32 $0x1BF5;
	[smem:$0x3FB6] =	sst s0  }
0x18: {  	s0 =	sld [smem:$0x3F99];
	_ =	swait.ge [sflag:s4], $0x0  }
0x19: {  	s7 =	sld [smem:$0x3F9A]  }
0x1a: {  	s8 =	sadd.s32 $0xFFFFE003, lr  }
0x1b: {  	s9 =	sadd.s32 $0xFFFFFEF7, lr;
	s5 =	simm.s32 $0xFFFFFFFF;
	p2 =	slt.u32 s8, $0xFFFFF086  }
0x1c: {  	p1 =	slt.u32 s9, $0xF7A;
	s5 =	simm.s32 @!p2 $0x0  }
0x1d: {  	s5 =	simm.s32 @p1 $0x1;
	p0 =	seq.s32 s7, s2  }
0x1e: {  	s7 =	smul.u32 @!p0 $0xF7A, s2;
	p2 =	seq.s32 @!p0 s5, $0x0  }
0x1f: {  	s9 =	smul.u32 $0xF7A, s1;
	s8 =	simm.s32 @!p0 $0x1BF5;
	p2 =	por !p2, p0  }
0x20: {  	[sflag:s8] =	ssyncset.s32 @!p0 $0xFFFFF086;
	s6 =	sadd.s32 @!p0 s3, s7;
	s7 =	simm.s32 @!p0 $0x108  }
0x21: {  	s3 =	sadd.s32 s3, s9;
	s6 =	sadd.s32 @!p0 $0x88, s6;
	s7 =	simm.s32 @p2 $0x1082  }
0x22: {  	[simem:s7], [sflag:s8] =	dma.local @!p0 [hbm:s6], $0xF7A  }
0x23: {  	s9 =	sor.u32 $0xD0000000, s2;
	s6 =	simm.s32 $0x108;
	_ =	swait.ge @!p0 [sflag:s8], $0x0  }
0x24: {  	s3 =	sadd.s32 $0x88, s3;
	s6 =	simm.s32 @!p1 $0x1082;
	[sflag:s4] =	ssyncset.s32 $0xFFFFF086  }
0x25: {  	[simem:s6], [sflag:s4] =	dma.local [hbm:s3], $0xF7A  }
0x26: {  	[smem:$0x3F9A] =	sst s1;
	(tag) =	ssettag s2;
	_ =	strace s9  }
0x27: {  	s1 =	sld [smem:$0x3FAA]  }
0x28: {  	s2 =	sld [smem:$0x3FAB]  }
0x29: {  	s4 =	sld [smem:$0x3FAD]  }
0x2a: {  	p0 =	seq.s32 s5, $0x0;
	s5 =	sld [smem:$0x3FAE]  }
0x2b: {  	s6 =	sld [smem:$0x3FAF]  }
0x2c: {  	s7 =	sld [smem:$0x3FB0]  }
0x2d: {  	s3 =	simm.s32 $0x108;
	s8 =	sld [smem:$0x3FB1]  }
0x2e: {  	s3 =	simm.s32 @!p0 $0x1082;
	s9 =	sld [smem:$0x3FB2]  }
0x2f: {  	lr =	sadd.s32 s0, s3;
	s0 =	sld [smem:$0x3FA9]  }
0x30: {  	s3 =	sld [smem:$0x3FAC]  }
0x31: {  	[smem:$0x3FB5] =	sst s10  }
0x32: {  	s10 =	sld [smem:$0x3FB3];
	_ =	sdelay $0x3  }
0x33: {  	p0 =	seq.s32 s10, $0x1;
	s10 =	sld [smem:$0x3FB5];
	_ =	sdelay $0x3  }
0x34: {  	[smem:$0x3FB5] =	sst s10  }
0x35: {  	s10 =	sld [smem:$0x3FB4];
	_ =	sdelay $0x3  }
0x36: {  	p1 =	seq.s32 s10, $0x1;
	s10 =	sld [smem:$0x3FB5];
	_ =	sdelay $0x3  }
0x37: {  	[smem:$0x3FB5] =	sst s10  }
0x38: {  	s10 =	sld [smem:$0x3FB6]  }
0x39: {  	_ = 	snop;
	(pc) =	sbr.ind lr, $3  }
0x3a: {  	_ = 	snop  }
0x3b: {  	_ = 	snop  }
0x3c: {  	p2 =	seq.s32 s10, $0x1;
	s10 =	sld [smem:$0x3FB5]  }
0x3d: {  	_ =	shalt  }
0x3e: {  	_ =	shalt  }
0x3f: {  	_ =	shalt  }
0x40: {  	_ =	shalt  }
0x41: {  	_ =	shalt  }
0x42: {  	_ =	shalt  }
0x43: {  	_ =	shalt  }
0x44: {  	_ =	shalt  }
0x45: {  	_ =	shalt  }
0x46: {  	_ =	shalt  }
0x47: {  	_ =	shalt  }
0x48: {  	_ =	shalt  }
0x49: {  	_ =	shalt  }
0x4a: {  	_ =	shalt  }
0x4b: {  	_ =	shalt  }
0x4c: {  	_ =	shalt  }
0x4d: {  	_ =	shalt  }
0x4e: {  	_ =	shalt  }
0x4f: {  	_ =	shalt  }
0x50: {  	_ =	shalt  }
0x51: {  	_ =	shalt  }
0x52: {  	_ =	shalt  }
0x53: {  	_ =	shalt  }
0x54: {  	_ =	shalt  }
0x55: {  	_ =	shalt  }
0x56: {  	_ =	shalt  }
0x57: {  	_ =	shalt  }
0x58: {  	_ =	shalt  }
0x59: {  	_ =	shalt  }
0x5a: {  	_ =	shalt  }
0x5b: {  	_ =	shalt  }
0x5c: {  	_ =	shalt  }
0x5d: {  	_ =	shalt  }
0x5e: {  	_ =	shalt  }
0x5f: {  	_ =	shalt  }
0x60: {  	_ =	shalt  }
0x61: {  	_ =	shalt  }
0x62: {  	_ =	shalt  }
0x63: {  	_ =	shalt  }
0x64: {  	_ =	shalt  }
0x65: {  	_ =	shalt  }
0x66: {  	_ =	shalt  }
0x67: {  	_ =	shalt  }
0x68: {  	_ =	shalt  }
0x69: {  	_ =	shalt  }
0x6a: {  	_ =	shalt  }
0x6b: {  	_ =	shalt  }
0x6c: {  	_ =	shalt  }
0x6d: {  	_ =	shalt  }
0x6e: {  	_ =	shalt  }
0x6f: {  	_ =	shalt  }
0x70: {  	_ =	shalt  }
0x71: {  	_ =	shalt  }
0x72: {  	_ =	shalt  }
0x73: {  	_ =	shalt  }
0x74: {  	_ =	shalt  }
0x75: {  	_ =	shalt  }
0x76: {  	_ =	shalt  }
0x77: {  	_ =	shalt  }
0x78: {  	_ =	shalt  }
0x79: {  	_ =	shalt  }
0x7a: {  	_ =	shalt  }
0x7b: {  	_ =	shalt  }
0x7c: {  	_ =	shalt  }
0x7d: {  	_ =	shalt  }
0x7e: {  	_ =	shalt  }
0x7f: {  	_ =	shalt  }
0x80: {  	_ =	shalt  }
0x81: {  	_ =	shalt  }
0x82: {  	_ =	shalt  }
0x83: {  	_ =	shalt  }
0x84: {  	_ =	shalt  }
0x85: {  	_ =	shalt  }
0x86: {  	_ =	shalt  }
0x87: {  	_ =	shalt  }
.Lfunc_end0:
.L_simem_size_0:
called_computation_lowered:
.L_overlay_start_0:
0x88: {  	s2 =	sld [smem:$0x3FD9]  }
0x89: {  	s3 =	sld [smem:$0x3FFE];
	_ =	sdelay $0x1  }
0x8a: {  	s1 =	srdreg.scid  }
0x8b: {  	s0 =	sand.u32 $0x1, s1  }
0x8c: {  	s17 =	sshll.u32 s0, $0xA;
	s2 =	sadd.s32 s3, s2  }
0x8d: {  	s2 =	sadd.s32 s2, s17  }
0x8e: {  	[smem:$0x3FC1] =	sst s2  }
0x8f: {  	_ = 	snop  }
0x90: {  	s2 =	sld [smem:$0x3FC9]  }
0x91: {  	s18 =	sld [smem:$0x3FD0];
	(tm) =	ssettm $0x1  }
0x92: {  	s4 =	sld [smem:$0x3FFB];
	_ =	sdelay $0x3  }
0x93: {  	_ =	strace s4  }
0x94: {  	s4 =	sld [smem:$0x3FFC];
	_ =	sdelay $0x3  }
0x95: {  	_ =	strace s4  }
0x96: {  	s4 =	sld [smem:$0x3FFD];
	_ =	sdelay $0x3  }
0x97: {  	_ =	strace s4  }
0x98: {  	_ =	strace $0x8FFFFFFF  }
0x99: {  	s19 =	sld [smem:$0x3FDB];
	_ =	sdelay $0x1  }
0x9a: {  	s5 =	simm.s32 $_scs_section_size  }
0x9b: {  	s6 =	simm.s32 $_size__tile_overlayer_lowered;
	s7 =	simm.s32 $_tile_overlayer_lowered  }
0x9c: {  	s22 =	simm.s32 $0x1BFF;
	s21 =	sshll.u32 s7, $0x1;
	s4 =	sadd.s32 s5, s19  }
0x9d: {  	s8 =	simm.s32 $0x0;
	s20 =	sshll.u32 s6, $0x1;
	s6 =	sadd.s32 s21, s4  }
0x9e: {  	[timem:s8], [sflag:s22] =	dma.local [hbm:s6], s20  }
0x9f: {  	_ =	swait.ge [sflag:s22], s20  }
0xa0: {  	s5 =	ssub.s32 $0x0, s20;
	[sflag:s22] =	ssyncset.done $0x0  }
0xa1: {  	[sflag:s22] =	ssyncadd.s32 s5;
	_ =	sdelay $0x1  }
0xa2: {  	s23 =	simm.s32 $0x1B8B  }
0xa3: {  	_ =	swait.ge [sflag:s23], $0x1  }
0xa4: {  	[sflag:s23] =	ssyncset.done $0x0  }
0xa5: {  	s25 =	simm.s32 $0x1B8E;
	s24 =	sld [smem:$0x3FFE];
	[sflag:s23] =	ssyncadd.s32 $0xFFFFFFFF  }
0xa6: {  	s26 =	simm.s32 $execute0_lowered;
	[smem:$0x3FD2] =	sst s25  }
0xa7: {  	s6 =	sshll.u32 s26, $0x1;
	_ =	strace $0x80000046;
	[dreg:$0x1] =	wrdreg $0xFFFFFFFF  }
0xa8: {  	s28 =	simm.s32 $_size_execute0_lowered;
	s4 =	sadd.s32 s4, s6;
	[dreg:$0x0] =	wrdreg $0x0  }
0xa9: {  	s6 =	sshll.u32 s28, $0x1;
	[dreg:$0x2] =	wrdreg s4  }
0xaa: {  	[dreg:$0x3] =	wrdreg s6  }
0xab: {  	[dreg:$0x4] =	wrdreg $0xC0  }
0xac: {  	_ =	task [dreg:s8], $0x5FFFF  }
0xad: {  	[dreg:$0x1] =	wrdreg $0xFFFFFFFF  }
0xae: {  	[dreg:$0x0] =	wrdreg $0x60  }
0xaf: {  	[dreg:$0x2] =	wrdreg s2  }
0xb0: {  	[dreg:$0x3] =	wrdreg s24  }
0xb1: {  	[dreg:$0x4] =	wrdreg s18  }
0xb2: {  	[dreg:$0x5] =	wrdreg $0x9  }
0xb3: {  	_ =	task.clear_ibuf [dreg:s8], $0x6FFFF;
	_ =	strace $0x90000046  }
0xb4: {  	s29 =	simm.s32 $0x9;
	_ =	strace $0x80000048  }
0xb5: {  	_ =	swait.ge [sflag:s29], $0x1  }
0xb6: {  	[sflag:s29] =	ssyncadd.s32 $0xFFFFFFFF  }
0xb7: {  	_ =	strace $0x90000048  }
0xb8: {  	_ =	sfence  }
0xb9: {  	s30 =	sld [smem:$0x0];
	_ =	sdelay $0x2  }
0xba: {  	s31 =	sshll.u32 s1, $0xD;
	s1 =	sshrl.u32 s1, $0x2  }
0xbb: {  	s3 =	sand.u32 $0x4000, s31;
	s1 =	sadd.s32 s1, s30  }
0xbc: {  	s0 =	sor.u32 s3, s0;
	s1 =	sshll.u32 s1, $0x11  }
0xbd: {  	s0 =	sor.u32 s1, s0  }
0xbe: {  	s0 =	sadd.s32 $0x8F2B, s0  }
0xbf: {  	[sflag:s0] =	ssyncadd.remote.s32 $0x1  }
0xc0: {  	_ =	sfence.sel $0xFFFF  }
0xc1: {  	[dreg:$0x0] =	wrdreg $0xFFFFFFFF;
	(pc) =	sbr.abs _section_cstart, $3  }
0xc2: {  	[dreg:$0x1] =	wrdreg $0xFFFFFFFF  }
0xc3: {  	_ =	task.clear_ibuf [dreg:s8], $0x2FFFF;
	_ =	strace $0x9FFFFFFF  }
0xc4: {  	(tm) =	ssettm $0x7FFFFFFF  }
0xc5: {  	_ =	shalt  }
tec
execute0_lowered:
.L_overlay_start_1:
0x0: {  	(tag) =	ssettag $0x1  }
0x1: {  	s1 =	rddreg [dreg:$0x0]  }
0x2: {  	s2 =	srdreg.scid;
	s4 =	rddreg [dreg:$0x1]  }
0x3: {  	s0 =	stileid.u32;
	s3 =	simm.s32 $0x0;
	s8 =	simm.s32 $0x80  }
0x4: {  	s26 =	simm.s32 $0x880;
	s9 =	simm.s32 $0x1080;
	s10 =	simm.s32 $0x1880  }
0x5: {  	s11 =	simm.s32 $0x2080;
	s12 =	simm.s32 $0x2880;
	s13 =	simm.s32 $0x3080  }
0x6: {  	s14 =	simm.s32 $0x3880;
	s15 =	simm.s32 $0x4080;
	s16 =	simm.s32 $0x4880  }
0x7: {  	s17 =	simm.s32 $0x5080;
	s18 =	simm.s32 $0x5880;
	s19 =	simm.s32 $0x6080  }
0x8: {  	s20 =	simm.s32 $0x6880;
	s21 =	simm.s32 $0x7080;
	s22 =	simm.s32 $0x7880  }
0x9: {  	s23 =	simm.s32 $0x8080;
	s28 =	simm.s32 $0xA080;
	s29 =	simm.s32 $0xA880  }
0xa: {  	s30 =	simm.s32 $0xB080;
	s5 =	sand.u32 $0x1, s2;
	s2 =	rddreg [dreg:$0x2]  }
0xb: {  	s31 =	simm.s32 $0xB880;
	s6 =	sshll.u32 s0, $0x4;
	[smem:$0x7FF] =	sst s3  }
0xc: {  	s7 =	sshll.u32 s5, $0x3;
	_ =	strace $0x80000047;
	s5 =	ssub.s32 $0x2, s5  }
0xd: {  	[dreg:$0x6] =	wrdreg s26;
	s26 =	simm.s32 $0x9880;
	s6 =	sor.u32 s7, s6  }
0xe: {  	s24 =	sshrl.u32 s5, $0x1;
	s7 =	simm.s32 $0x2;
	s4 =	sadd.s32 s6, s4  }
0xf: {  	s6 =	smul.u32 $0x300, s6;
	s25 =	ssub.s32 s5, s24;
	s4 =	sadd.s32 $0x800, s4  }
0x10: {  	v2 =	vlaneseq.u32;
	s5 =	sadd.s32 $0x200, s2;
	s24 =	simm.s32 $0x8880;
	[dreg:$0x4] =	wrdreg s4  }
0x11: {  	vm0 =	vmmov $0xffff;
	v1 =	vshrl.u32 v2, $0x3;
	s1 =	sadd.s32 s1, s6;
	s4 =	sadd.s32 $0x100, s2;
	s6 =	smax.u32 s25, $0x1  }
0x12: {  	v0 =	vand.u32 $0x7, v2;
	v2 =	vor.u32 $0x8, v2;
	v1 =	vmul.u32 $0x8, v1;
	s25 =	simm.s32 $0x9080;
	[dreg:$0x5] =	wrdreg s1;
	s1 =	simm.s32 $0x1  }
.LBB2_1:
0x13: {  	s0 =	rddreg [dreg:$0x4]  }
0x14: {  	[tilespmem:s3], [sflag:$0x2] =	stream.linear.gather [hbm4b:s0+s3], $0x40, $0x38;
	[tilespmem:$0xC080] =	vst v63  }
0x15: {  	_ =	swait.ge [sflag:s7], $0x40  }
0x16: {  	[sflag:s7] =	ssyncset.done $0x0  }
0x17: {  	s0 =	rddreg [dreg:$0x5];
	[sflag:s7] =	ssyncadd.s32 $0xFFFFFFC0  }
0x18: {  	[tilespmem:s8], [sflag:$0x2] =	stream.linear.gather [hbm4b:s0+s3], $0xC000, $0x38;
	[tilespmem:$0xC080] =	vst v63  }
0x19: {  	_ =	swait.ge [sflag:s7], $0xC000  }
0x1a: {  	[sflag:s7] =	ssyncset.done $0x0  }
0x1b: {  	[sflag:s7] =	ssyncadd.s32 $0xFFFF4000  }
0x1c: {  	v3 =	vld [tilespmem:$0x0];
	_ =	sdelay $0x4  }
0x1d: {  	v4 =	vshrl.u32 v3, $0x3  }
0x1e: {  	v4 =	vmul.u32 $0x30, v4  }
0x1f: {  	v3 =	vand.u32 $0x7, v3  }
0x20: {  	v3 =	vor.u32 v3, v4  }
0x21: {  	v4 =	vperm.xlane v3, v0;
	_ =	sdelay $0x1  }
0x22: {  	v4 =	vadd.s32 v1, v4;
	_ =	sdelay $0x3  }
0x23: {  	v3 =	vperm.xlane v3, v2  }
0x24: {  	[hbm4b:s2+s3] =	stream.indirect_vreg.scatter [tilespmem:s8], [sflag:$0x1], $0x80, v4, vm0, $0xb8;
	[tilespmem:$0xC080] =	vst v63  }
0x25: {  	s0 =	rddreg [dreg:$0x6];
	v3 =	vadd.s32 v1, v3  }
0x26: {  	[hbm4b:s4+s3] =	stream.indirect_vreg.scatter [tilespmem:s0], [sflag:$0x1], $0x80, v4, vm0, $0xb8;
	[tilespmem:$0xC080] =	vst v63  }
0x27: {  	_ = 	snop  }
0x28: {  	[hbm4b:s5+s3] =	stream.indirect_vreg.scatter [tilespmem:s9], [sflag:$0x1], $0x80, v4, vm0, $0xb8;
	[tilespmem:$0xC080] =	vst v63  }
0x29: {  	_ = 	snop  }
0x2a: {  	[hbm4b:s2+s3] =	stream.indirect_vreg.scatter [tilespmem:s10], [sflag:$0x1], $0x80, v3, vm0, $0xb8;
	[tilespmem:$0xC080] =	vst v63  }
0x2b: {  	_ = 	snop  }
0x2c: {  	[hbm4b:s4+s3] =	stream.indirect_vreg.scatter [tilespmem:s11], [sflag:$0x1], $0x80, v3, vm0, $0xb8;
	[tilespmem:$0xC080] =	vst v63  }
0x2d: {  	_ = 	snop  }
0x2e: {  	[hbm4b:s5+s3] =	stream.indirect_vreg.scatter [tilespmem:s12], [sflag:$0x1], $0x80, v3, vm0, $0xb8;
	[tilespmem:$0xC080] =	vst v63  }
0x2f: {  	v3 =	vld [tilespmem:$0x10];
	_ =	sdelay $0x4  }
0x30: {  	v61 =	vshrl.u32 v3, $0x3  }
0x31: {  	v4 =	vmul.u32 $0x30, v61  }
0x32: {  	v3 =	vand.u32 $0x7, v3  }
0x33: {  	v3 =	vor.u32 v3, v4  }
0x34: {  	v4 =	vperm.xlane v3, v0;
	_ =	sdelay $0x1  }
0x35: {  	v4 =	vadd.s32 v1, v4;
	_ =	sdelay $0x3  }
0x36: {  	v3 =	vperm.xlane v3, v2  }
0x37: {  	[hbm4b:s2+s3] =	stream.indirect_vreg.scatter [tilespmem:s13], [sflag:$0x1], $0x80, v4, vm0, $0xb8;
	[tilespmem:$0xC080] =	vst v63  }
0x38: {  	v3 =	vadd.s32 v1, v3  }
0x39: {  	[hbm4b:s4+s3] =	stream.indirect_vreg.scatter [tilespmem:s14], [sflag:$0x1], $0x80, v4, vm0, $0xb8;
	[tilespmem:$0xC080] =	vst v63  }
0x3a: {  	_ = 	snop  }
0x3b: {  	[hbm4b:s5+s3] =	stream.indirect_vreg.scatter [tilespmem:s15], [sflag:$0x1], $0x80, v4, vm0, $0xb8;
	[tilespmem:$0xC080] =	vst v63  }
0x3c: {  	_ = 	snop  }
0x3d: {  	[hbm4b:s2+s3] =	stream.indirect_vreg.scatter [tilespmem:s16], [sflag:$0x1], $0x80, v3, vm0, $0xb8;
	[tilespmem:$0xC080] =	vst v63  }
0x3e: {  	_ = 	snop  }
0x3f: {  	[hbm4b:s4+s3] =	stream.indirect_vreg.scatter [tilespmem:s17], [sflag:$0x1], $0x80, v3, vm0, $0xb8;
	[tilespmem:$0xC080] =	vst v63  }
0x40: {  	_ = 	snop  }
0x41: {  	[hbm4b:s5+s3] =	stream.indirect_vreg.scatter [tilespmem:s18], [sflag:$0x1], $0x80, v3, vm0, $0xb8;
	[tilespmem:$0xC080] =	vst v63  }
0x42: {  	v3 =	vld [tilespmem:$0x20];
	_ =	sdelay $0x4  }
0x43: {  	v62 =	vshrl.u32 v3, $0x3  }
0x44: {  	v4 =	vmul.u32 $0x30, v62  }
0x45: {  	v3 =	vand.u32 $0x7, v3  }
0x46: {  	v3 =	vor.u32 v3, v4  }
0x47: {  	v4 =	vperm.xlane v3, v0;
	_ =	sdelay $0x1  }
0x48: {  	v4 =	vadd.s32 v1, v4;
	_ =	sdelay $0x3  }
0x49: {  	v3 =	vperm.xlane v3, v2  }
0x4a: {  	[hbm4b:s2+s3] =	stream.indirect_vreg.scatter [tilespmem:s19], [sflag:$0x1], $0x80, v4, vm0, $0xb8;
	[tilespmem:$0xC080] =	vst v63  }
0x4b: {  	v3 =	vadd.s32 v1, v3  }
0x4c: {  	[hbm4b:s4+s3] =	stream.indirect_vreg.scatter [tilespmem:s20], [sflag:$0x1], $0x80, v4, vm0, $0xb8;
	[tilespmem:$0xC080] =	vst v63  }
0x4d: {  	_ = 	snop  }
0x4e: {  	[hbm4b:s5+s3] =	stream.indirect_vreg.scatter [tilespmem:s21], [sflag:$0x1], $0x80, v4, vm0, $0xb8;
	[tilespmem:$0xC080] =	vst v63  }
0x4f: {  	_ = 	snop  }
0x50: {  	[hbm4b:s2+s3] =	stream.indirect_vreg.scatter [tilespmem:s22], [sflag:$0x1], $0x80, v3, vm0, $0xb8;
	[tilespmem:$0xC080] =	vst v63  }
0x51: {  	_ = 	snop  }
0x52: {  	[hbm4b:s4+s3] =	stream.indirect_vreg.scatter [tilespmem:s23], [sflag:$0x1], $0x80, v3, vm0, $0xb8;
	[tilespmem:$0xC080] =	vst v63  }
0x53: {  	_ = 	snop  }
0x54: {  	[hbm4b:s5+s3] =	stream.indirect_vreg.scatter [tilespmem:s24], [sflag:$0x1], $0x80, v3, vm0, $0xb8;
	[tilespmem:$0xC080] =	vst v63  }
0x55: {  	v3 =	vld [tilespmem:$0x30];
	_ =	sdelay $0x4  }
0x56: {  	v63 =	vshrl.u32 v3, $0x3  }
0x57: {  	v4 =	vmul.u32 $0x30, v63  }
0x58: {  	v3 =	vand.u32 $0x7, v3  }
0x59: {  	v3 =	vor.u32 v3, v4  }
0x5a: {  	v4 =	vperm.xlane v3, v0;
	_ =	sdelay $0x1  }
0x5b: {  	v4 =	vadd.s32 v1, v4;
	_ =	sdelay $0x3  }
0x5c: {  	v3 =	vperm.xlane v3, v2  }
0x5d: {  	[hbm4b:s2+s3] =	stream.indirect_vreg.scatter [tilespmem:s25], [sflag:$0x1], $0x80, v4, vm0, $0xb8;
	[tilespmem:$0xC080] =	vst v63  }
0x5e: {  	v3 =	vadd.s32 v1, v3  }
0x5f: {  	[hbm4b:s4+s3] =	stream.indirect_vreg.scatter [tilespmem:s26], [sflag:$0x1], $0x80, v4, vm0, $0xb8;
	[tilespmem:$0xC080] =	vst v63  }
0x60: {  	_ = 	snop  }
0x61: {  	[hbm4b:s5+s3] =	stream.indirect_vreg.scatter [tilespmem:s28], [sflag:$0x1], $0x80, v4, vm0, $0xb8;
	[tilespmem:$0xC080] =	vst v63  }
0x62: {  	_ = 	snop  }
0x63: {  	[hbm4b:s2+s3] =	stream.indirect_vreg.scatter [tilespmem:s29], [sflag:$0x1], $0x80, v3, vm0, $0xb8;
	[tilespmem:$0xC080] =	vst v63  }
0x64: {  	p0 =	sne.s32 s6, $0x1  }
0x65: {  	[hbm4b:s4+s3] =	stream.indirect_vreg.scatter [tilespmem:s30], [sflag:$0x1], $0x80, v3, vm0, $0xb8;
	[tilespmem:$0xC080] =	vst v63  }
.Ltmp0:
0x66: {  	_ = 	snop;
	(pc) =	sbr.rel @p0 .LBB2_1-.Ltmp0, $4  }
0x67: {  	[hbm4b:s5+s3] =	stream.indirect_vreg.scatter [tilespmem:s31], [sflag:$0x1], $0x80, v3, vm0, $0xb8;
	[tilespmem:$0xC080] =	vst v63  }
0x68: {  	_ =	swait.ge [sflag:s1], $0xC000  }
0x69: {  	[sflag:s1] =	ssyncset.done $0x0  }
0x6a: {  	s6 =	sadd.s32 $0xFFFFFFFF, s6;
	[sflag:s1] =	ssyncadd.s32 $0xFFFF4000  }
0x6b: {  	_ =	sfence.sel $0x180000  }
0x6c: {  	[bflag:$0x0] =	sbarrier.arrive $0xFFFF  }
0x6d: {  	_ =	strace $0x90000047  }
0x6e: {  	s0 =	stileid.u32;
	[bflag:$0x2] =	sbarrier.arrive $0xFFFF  }
0x6f: {  	p0 =	sne.s32 s0, $0x0;
	s0 =	rddreg [dreg:$0x3]  }
0x70: {  	s0 =	sadd.s32 @!p0 $0x100000, s0  }
0x71: {  	[sflag:s0] =	ssyncadd.tile.s32 @!p0 $0x1;
	_ =	shalt  }
.Lfunc_end2:
_tile_overlayer_lowered:
.L_overlay_start_2:
0x72: {  	(tag) =	ssettag $0x2  }
0x73: {  	s0 =	rddreg [dreg:$0x0];
	s2 =	stileid.u32  }
0x74: {  	s1 =	rddreg [dreg:$0x1];
	p0 =	sne.s32 s2, $0x0  }
0x75: {  	s3 =	rddreg [dreg:$0x2];
	[bflag:$0x3] =	sbarrier.arrive $0xFFFF;
	s2 =	simm.s32 @!p0 $0x1C02  }
0x76: {  	[timem:s3], [sflag:s2] =	dma.local @!p0 [hbm:s0], s1  }
0x77: {  	s0 =	simm.s32 @!p0 $0x2  }
0x78: {  	_ =	swait.ge @!p0 [sflag:s0], s1  }
0x79: {  	s1 =	ssub.s32 @!p0 $0x0, s1;
	[sflag:s0] =	ssyncset.done @!p0 $0x0  }
0x7a: {  	[sflag:s0] =	ssyncadd.s32 @!p0 s1  }
0x7b: {  	[bflag:$0x3] =	sbarrier.arrive $0xFFFF  }
0x7c: {  	_ =	shalt  }

// kernel: kernel.9.cloned.1.call-start
scs
__scs_entry_jumppad:
0x0: {  	(pc) =	sbr.rel $0x88, $3  }
0x1: {  	(tag) =	ssettag $0x0;
	lr =	simm.s32 $0x1  }
0x2: {  	[smem:$0x3F9A] =	sst lr;
	_ =	strace $0xD0000000  }
0x3: {  	_ = 	snop  }
0x4: {  	_ = 	snop  }
0x5: {  	_ = 	snop  }
0x6: {  	_ = 	snop  }
0x7: {  	_ = 	snop  }
__scs_overlays_trampoline_lowered:
0x8: {  	[smem:$0x3FA9] =	sst s0  }
0x9: {  	[smem:$0x3FAA] =	sst s1  }
0xa: {  	[smem:$0x3FAB] =	sst s2  }
0xb: {  	[smem:$0x3FAC] =	sst s3  }
0xc: {  	[smem:$0x3FAD] =	sst s4  }
0xd: {  	[smem:$0x3FAE] =	sst s5  }
0xe: {  	[smem:$0x3FAF] =	sst s6  }
0xf: {  	[smem:$0x3FB0] =	sst s7  }
0x10: {  	[smem:$0x3FB1] =	sst s8  }
0x11: {  	[smem:$0x3FB2] =	sst s9;
	s0 =	simm.s32 @!p0 $0x0  }
0x12: {  	s1 =	sld [smem:$0x3F98];
	s0 =	simm.s32 @p0 $0x1  }
0x13: {  	[smem:$0x3FB3] =	sst s0;
	s0 =	simm.s32 @!p1 $0x0  }
0x14: {  	s2 =	sld [smem:$0x3F97];
	s0 =	simm.s32 @p1 $0x1  }
0x15: {  	[smem:$0x3FB4] =	sst s0;
	s0 =	simm.s32 @!p2 $0x0  }
0x16: {  	s3 =	sld [smem:$0x3FDB];
	s0 =	simm.s32 @p2 $0x1  }
0x17: {  	s4 =	simm.s32 $0x1BF5;
	[smem:$0x3FB6] =	sst s0  }
0x18: {  	s0 =	sld [smem:$0x3F99];
	_ =	swait.ge [sflag:s4], $0x0  }
0x19: {  	s7 =	sld [smem:$0x3F9A]  }
0x1a: {  	s8 =	sadd.s32 $0xFFFFE003, lr  }
0x1b: {  	s9 =	sadd.s32 $0xFFFFFEF7, lr;
	s5 =	simm.s32 $0xFFFFFFFF;
	p2 =	slt.u32 s8, $0xFFFFF086  }
0x1c: {  	p1 =	slt.u32 s9, $0xF7A;
	s5 =	simm.s32 @!p2 $0x0  }
0x1d: {  	s5 =	simm.s32 @p1 $0x1;
	p0 =	seq.s32 s7, s2  }
0x1e: {  	s7 =	smul.u32 @!p0 $0xF7A, s2;
	p2 =	seq.s32 @!p0 s5, $0x0  }
0x1f: {  	s9 =	smul.u32 $0xF7A, s1;
	s8 =	simm.s32 @!p0 $0x1BF5;
	p2 =	por !p2, p0  }
0x20: {  	[sflag:s8] =	ssyncset.s32 @!p0 $0xFFFFF086;
	s6 =	sadd.s32 @!p0 s3, s7;
	s7 =	simm.s32 @!p0 $0x108  }
0x21: {  	s3 =	sadd.s32 s3, s9;
	s6 =	sadd.s32 @!p0 $0x88, s6;
	s7 =	simm.s32 @p2 $0x1082  }
0x22: {  	[simem:s7], [sflag:s8] =	dma.local @!p0 [hbm:s6], $0xF7A  }
0x23: {  	s9 =	sor.u32 $0xD0000000, s2;
	s6 =	simm.s32 $0x108;
	_ =	swait.ge @!p0 [sflag:s8], $0x0  }
0x24: {  	s3 =	sadd.s32 $0x88, s3;
	s6 =	simm.s32 @!p1 $0x1082;
	[sflag:s4] =	ssyncset.s32 $0xFFFFF086  }
0x25: {  	[simem:s6], [sflag:s4] =	dma.local [hbm:s3], $0xF7A  }
0x26: {  	[smem:$0x3F9A] =	sst s1;
	(tag) =	ssettag s2;
	_ =	strace s9  }
0x27: {  	s1 =	sld [smem:$0x3FAA]  }
0x28: {  	s2 =	sld [smem:$0x3FAB]  }
0x29: {  	s4 =	sld [smem:$0x3FAD]  }
0x2a: {  	p0 =	seq.s32 s5, $0x0;
	s5 =	sld [smem:$0x3FAE]  }
0x2b: {  	s6 =	sld [smem:$0x3FAF]  }
0x2c: {  	s7 =	sld [smem:$0x3FB0]  }
0x2d: {  	s3 =	simm.s32 $0x108;
	s8 =	sld [smem:$0x3FB1]  }
0x2e: {  	s3 =	simm.s32 @!p0 $0x1082;
	s9 =	sld [smem:$0x3FB2]  }
0x2f: {  	lr =	sadd.s32 s0, s3;
	s0 =	sld [smem:$0x3FA9]  }
0x30: {  	s3 =	sld [smem:$0x3FAC]  }
0x31: {  	[smem:$0x3FB5] =	sst s10  }
0x32: {  	s10 =	sld [smem:$0x3FB3];
	_ =	sdelay $0x3  }
0x33: {  	p0 =	seq.s32 s10, $0x1;
	s10 =	sld [smem:$0x3FB5];
	_ =	sdelay $0x3  }
0x34: {  	[smem:$0x3FB5] =	sst s10  }
0x35: {  	s10 =	sld [smem:$0x3FB4];
	_ =	sdelay $0x3  }
0x36: {  	p1 =	seq.s32 s10, $0x1;
	s10 =	sld [smem:$0x3FB5];
	_ =	sdelay $0x3  }
0x37: {  	[smem:$0x3FB5] =	sst s10  }
0x38: {  	s10 =	sld [smem:$0x3FB6]  }
0x39: {  	_ = 	snop;
	(pc) =	sbr.ind lr, $3  }
0x3a: {  	_ = 	snop  }
0x3b: {  	_ = 	snop  }
0x3c: {  	p2 =	seq.s32 s10, $0x1;
	s10 =	sld [smem:$0x3FB5]  }
0x3d: {  	_ =	shalt  }
0x3e: {  	_ =	shalt  }
0x3f: {  	_ =	shalt  }
0x40: {  	_ =	shalt  }
0x41: {  	_ =	shalt  }
0x42: {  	_ =	shalt  }
0x43: {  	_ =	shalt  }
0x44: {  	_ =	shalt  }
0x45: {  	_ =	shalt  }
0x46: {  	_ =	shalt  }
0x47: {  	_ =	shalt  }
0x48: {  	_ =	shalt  }
0x49: {  	_ =	shalt  }
0x4a: {  	_ =	shalt  }
0x4b: {  	_ =	shalt  }
0x4c: {  	_ =	shalt  }
0x4d: {  	_ =	shalt  }
0x4e: {  	_ =	shalt  }
0x4f: {  	_ =	shalt  }
0x50: {  	_ =	shalt  }
0x51: {  	_ =	shalt  }
0x52: {  	_ =	shalt  }
0x53: {  	_ =	shalt  }
0x54: {  	_ =	shalt  }
0x55: {  	_ =	shalt  }
0x56: {  	_ =	shalt  }
0x57: {  	_ =	shalt  }
0x58: {  	_ =	shalt  }
0x59: {  	_ =	shalt  }
0x5a: {  	_ =	shalt  }
0x5b: {  	_ =	shalt  }
0x5c: {  	_ =	shalt  }
0x5d: {  	_ =	shalt  }
0x5e: {  	_ =	shalt  }
0x5f: {  	_ =	shalt  }
0x60: {  	_ =	shalt  }
0x61: {  	_ =	shalt  }
0x62: {  	_ =	shalt  }
0x63: {  	_ =	shalt  }
0x64: {  	_ =	shalt  }
0x65: {  	_ =	shalt  }
0x66: {  	_ =	shalt  }
0x67: {  	_ =	shalt  }
0x68: {  	_ =	shalt  }
0x69: {  	_ =	shalt  }
0x6a: {  	_ =	shalt  }
0x6b: {  	_ =	shalt  }
0x6c: {  	_ =	shalt  }
0x6d: {  	_ =	shalt  }
0x6e: {  	_ =	shalt  }
0x6f: {  	_ =	shalt  }
0x70: {  	_ =	shalt  }
0x71: {  	_ =	shalt  }
0x72: {  	_ =	shalt  }
0x73: {  	_ =	shalt  }
0x74: {  	_ =	shalt  }
0x75: {  	_ =	shalt  }
0x76: {  	_ =	shalt  }
0x77: {  	_ =	shalt  }
0x78: {  	_ =	shalt  }
0x79: {  	_ =	shalt  }
0x7a: {  	_ =	shalt  }
0x7b: {  	_ =	shalt  }
0x7c: {  	_ =	shalt  }
0x7d: {  	_ =	shalt  }
0x7e: {  	_ =	shalt  }
0x7f: {  	_ =	shalt  }
0x80: {  	_ =	shalt  }
0x81: {  	_ =	shalt  }
0x82: {  	_ =	shalt  }
0x83: {  	_ =	shalt  }
0x84: {  	_ =	shalt  }
0x85: {  	_ =	shalt  }
0x86: {  	_ =	shalt  }
0x87: {  	_ =	shalt  }
.Lfunc_end0:
.L_simem_size_0:
called_computation.1_lowered:
.L_overlay_start_0:
0x88: {  	s2 =	sld [smem:$0x3FD9]  }
0x89: {  	s3 =	sld [smem:$0x3FFE];
	_ =	sdelay $0x1  }
0x8a: {  	s1 =	srdreg.scid  }
0x8b: {  	s0 =	sand.u32 $0x1, s1  }
0x8c: {  	s17 =	sshll.u32 s0, $0xA;
	s2 =	sadd.s32 s3, s2  }
0x8d: {  	s2 =	sadd.s32 s2, s17  }
0x8e: {  	[smem:$0x3FC1] =	sst s2  }
0x8f: {  	_ = 	snop  }
0x90: {  	s2 =	sld [smem:$0x3FD0];
	(tm) =	ssettm $0x1  }
0x91: {  	s18 =	sld [smem:$0x3FFB];
	_ =	sdelay $0x3  }
0x92: {  	_ =	strace s18  }
0x93: {  	s3 =	sld [smem:$0x3FFC];
	_ =	sdelay $0x3  }
0x94: {  	_ =	strace s3  }
0x95: {  	s3 =	sld [smem:$0x3FFD];
	_ =	sdelay $0x3  }
0x96: {  	_ =	strace s3  }
0x97: {  	_ =	strace $0x8FFFFFFF  }
0x98: {  	s19 =	sld [smem:$0x3FDB];
	_ =	sdelay $0x1  }
0x99: {  	s4 =	simm.s32 $_scs_section_size  }
0x9a: {  	s5 =	simm.s32 $_size__tile_overlayer_lowered;
	s6 =	simm.s32 $_tile_overlayer_lowered  }
0x9b: {  	s22 =	simm.s32 $0x1BFF;
	s21 =	sshll.u32 s6, $0x1;
	s3 =	sadd.s32 s4, s19  }
0x9c: {  	s7 =	simm.s32 $0x0;
	s20 =	sshll.u32 s5, $0x1;
	s5 =	sadd.s32 s21, s3  }
0x9d: {  	[timem:s7], [sflag:s22] =	dma.local [hbm:s5], s20  }
0x9e: {  	_ =	swait.ge [sflag:s22], s20  }
0x9f: {  	s4 =	ssub.s32 $0x0, s20;
	[sflag:s22] =	ssyncset.done $0x0  }
0xa0: {  	[sflag:s22] =	ssyncadd.s32 s4;
	_ =	sdelay $0x1  }
0xa1: {  	s23 =	simm.s32 $0x1B8B  }
0xa2: {  	_ =	swait.ge [sflag:s23], $0x1  }
0xa3: {  	[sflag:s23] =	ssyncset.done $0x0  }
0xa4: {  	s25 =	simm.s32 $0x1B8E;
	s24 =	sld [smem:$0x3FFE];
	[sflag:s23] =	ssyncadd.s32 $0xFFFFFFFF  }
0xa5: {  	s26 =	simm.s32 $execute0_lowered;
	[smem:$0x3FD2] =	sst s25  }
0xa6: {  	s5 =	sshll.u32 s26, $0x1;
	_ =	strace $0x80000049;
	[dreg:$0x1] =	wrdreg $0xFFFFFFFF  }
0xa7: {  	s28 =	simm.s32 $_size_execute0_lowered;
	s3 =	sadd.s32 s3, s5;
	[dreg:$0x0] =	wrdreg $0x0  }
0xa8: {  	s5 =	sshll.u32 s28, $0x1;
	[dreg:$0x2] =	wrdreg s3  }
0xa9: {  	[dreg:$0x3] =	wrdreg s5  }
0xaa: {  	[dreg:$0x4] =	wrdreg $0xC0  }
0xab: {  	_ =	task [dreg:s7], $0x5FFFF  }
0xac: {  	[dreg:$0x1] =	wrdreg $0xFFFFFFFF  }
0xad: {  	[dreg:$0x0] =	wrdreg $0x60  }
0xae: {  	[dreg:$0x2] =	wrdreg s24  }
0xaf: {  	[dreg:$0x3] =	wrdreg s2  }
0xb0: {  	[dreg:$0x4] =	wrdreg $0x9  }
0xb1: {  	_ =	task.clear_ibuf [dreg:s7], $0x5FFFF;
	_ =	strace $0x90000049  }
0xb2: {  	s29 =	simm.s32 $0x9;
	_ =	strace $0x8000004B  }
0xb3: {  	_ =	swait.ge [sflag:s29], $0x1  }
0xb4: {  	[sflag:s29] =	ssyncadd.s32 $0xFFFFFFFF  }
0xb5: {  	_ =	strace $0x9000004B  }
0xb6: {  	_ =	sfence  }
0xb7: {  	s30 =	sld [smem:$0x0];
	_ =	sdelay $0x2  }
0xb8: {  	s31 =	sshll.u32 s1, $0xD;
	s1 =	sshrl.u32 s1, $0x2  }
0xb9: {  	s3 =	sand.u32 $0x4000, s31;
	s1 =	sadd.s32 s1, s30  }
0xba: {  	s0 =	sor.u32 s3, s0;
	s1 =	sshll.u32 s1, $0x11  }
0xbb: {  	s0 =	sor.u32 s1, s0  }
0xbc: {  	s0 =	sadd.s32 $0x8F2B, s0  }
0xbd: {  	[sflag:s0] =	ssyncadd.remote.s32 $0x1  }
0xbe: {  	_ =	sfence.sel $0xFFFF  }
0xbf: {  	[dreg:$0x0] =	wrdreg $0xFFFFFFFF;
	(pc) =	sbr.abs _section_cstart, $3  }
0xc0: {  	[dreg:$0x1] =	wrdreg $0xFFFFFFFF  }
0xc1: {  	_ =	task.clear_ibuf [dreg:s7], $0x2FFFF;
	_ =	strace $0x9FFFFFFF  }
0xc2: {  	(tm) =	ssettm $0x7FFFFFFF  }
0xc3: {  	_ =	shalt  }
tec
execute0_lowered:
.L_overlay_start_1:
0x0: {  	(tag) =	ssettag $0x1  }
0x1: {  	s0 =	rddreg [dreg:$0x0]  }
0x2: {  	s5 =	rddreg [dreg:$0x1];
	s3 =	srdreg.scid  }
0x3: {  	s2 =	simm.s32 $0x0;
	s1 =	stileid.u32;
	s26 =	simm.s32 $0x880  }
0x4: {  	s10 =	simm.s32 $0x1880;
	s11 =	simm.s32 $0x2080;
	s12 =	simm.s32 $0x2880  }
0x5: {  	s13 =	simm.s32 $0x3080;
	s14 =	simm.s32 $0x3880;
	s15 =	simm.s32 $0x4080  }
0x6: {  	s16 =	simm.s32 $0x4880;
	s17 =	simm.s32 $0x5080;
	s18 =	simm.s32 $0x5880  }
0x7: {  	s19 =	simm.s32 $0x6080;
	s20 =	simm.s32 $0x6880;
	s21 =	simm.s32 $0x7080  }
0x8: {  	s22 =	simm.s32 $0x7880;
	s28 =	simm.s32 $0xA080;
	s29 =	simm.s32 $0xA880  }
0x9: {  	s30 =	simm.s32 $0xB080;
	s31 =	simm.s32 $0xB880;
	s3 =	sand.u32 $0x1, s3  }
0xa: {  	[smem:$0x7FF] =	sst s2;
	s4 =	sshll.u32 s1, $0x4;
	s6 =	sshll.u32 s3, $0x3  }
0xb: {  	_ =	strace $0x8000004A;
	s23 =	ssub.s32 $0x2, s3;
	s3 =	sadd.s32 $0xA00, s0  }
0xc: {  	[dreg:$0x5] =	wrdreg s26;
	s26 =	simm.s32 $0x9880;
	s4 =	sor.u32 s6, s4  }
0xd: {  	s8 =	sshrl.u32 s23, $0x1;
	s7 =	sadd.s32 s4, s0;
	s9 =	smul.u32 $0x300, s4  }
0xe: {  	s6 =	ssub.s32 s23, s8;
	s4 =	sadd.s32 $0xB00, s0;
	s8 =	simm.s32 $0x80  }
0xf: {  	s23 =	simm.s32 $0x8080;
	s24 =	sadd.s32 $0x800, s7;
	s6 =	smax.u32 s6, $0x1  }
0x10: {  	v2 =	vlaneseq.u32;
	s7 =	simm.s32 $0x2;
	[dreg:$0x3] =	wrdreg s24;
	s25 =	sadd.s32 s5, s9  }
0x11: {  	vm0 =	vmmov $0xffff;
	v1 =	vshrl.u32 v2, $0x3;
	s5 =	sadd.s32 $0xC00, s0;
	s9 =	simm.s32 $0x1080;
	s24 =	simm.s32 $0x8880  }
0x12: {  	v0 =	vand.u32 $0x7, v2;
	v2 =	vor.u32 $0x8, v2;
	v1 =	vmul.u32 $0x8, v1;
	s0 =	simm.s32 $0x1;
	[dreg:$0x4] =	wrdreg s25;
	s25 =	simm.s32 $0x9080  }
.LBB2_1:
0x13: {  	s1 =	rddreg [dreg:$0x3]  }
0x14: {  	[tilespmem:s2], [sflag:$0x2] =	stream.linear.gather [hbm4b:s1+s2], $0x40, $0x38;
	[tilespmem:$0xC080] =	vst v63  }
0x15: {  	_ =	swait.ge [sflag:s7], $0x40  }
0x16: {  	[sflag:s7] =	ssyncset.done $0x0  }
0x17: {  	[sflag:s7] =	ssyncadd.s32 $0xFFFFFFC0  }
0x18: {  	v3 =	vld [tilespmem:$0x0];
	_ =	sdelay $0x4  }
0x19: {  	v4 =	vshrl.u32 v3, $0x3  }
0x1a: {  	v4 =	vmul.u32 $0x30, v4  }
0x1b: {  	v3 =	vand.u32 $0x7, v3  }
0x1c: {  	v3 =	vor.u32 v3, v4  }
0x1d: {  	v4 =	vperm.xlane v3, v0;
	_ =	sdelay $0x1  }
0x1e: {  	v4 =	vadd.s32 v1, v4;
	_ =	sdelay $0x3  }
0x1f: {  	v3 =	vperm.xlane v3, v2  }
0x20: {  	[tilespmem:s8], [sflag:$0x1] =	stream.indirect_vreg.gather [hbm4b:s3+s2], $0x80, v4, vm0, $0xb8;
	[tilespmem:$0xC080] =	vst v63  }
0x21: {  	s1 =	rddreg [dreg:$0x5];
	v3 =	vadd.s32 v1, v3  }
0x22: {  	[tilespmem:s1], [sflag:$0x1] =	stream.indirect_vreg.gather [hbm4b:s4+s2], $0x80, v4, vm0, $0xb8;
	[tilespmem:$0xC080] =	vst v63  }
0x23: {  	_ = 	snop  }
0x24: {  	[tilespmem:s9], [sflag:$0x1] =	stream.indirect_vreg.gather [hbm4b:s5+s2], $0x80, v4, vm0, $0xb8;
	[tilespmem:$0xC080] =	vst v63  }
0x25: {  	_ = 	snop  }
0x26: {  	[tilespmem:s10], [sflag:$0x1] =	stream.indirect_vreg.gather [hbm4b:s3+s2], $0x80, v3, vm0, $0xb8;
	[tilespmem:$0xC080] =	vst v63  }
0x27: {  	_ = 	snop  }
0x28: {  	[tilespmem:s11], [sflag:$0x1] =	stream.indirect_vreg.gather [hbm4b:s4+s2], $0x80, v3, vm0, $0xb8;
	[tilespmem:$0xC080] =	vst v63  }
0x29: {  	_ = 	snop  }
0x2a: {  	[tilespmem:s12], [sflag:$0x1] =	stream.indirect_vreg.gather [hbm4b:s5+s2], $0x80, v3, vm0, $0xb8;
	[tilespmem:$0xC080] =	vst v63  }
0x2b: {  	v3 =	vld [tilespmem:$0x10];
	_ =	sdelay $0x4  }
0x2c: {  	v61 =	vshrl.u32 v3, $0x3  }
0x2d: {  	v4 =	vmul.u32 $0x30, v61  }
0x2e: {  	v3 =	vand.u32 $0x7, v3  }
0x2f: {  	v3 =	vor.u32 v3, v4  }
0x30: {  	v4 =	vperm.xlane v3, v0;
	_ =	sdelay $0x1  }
0x31: {  	v4 =	vadd.s32 v1, v4;
	_ =	sdelay $0x3  }
0x32: {  	v3 =	vperm.xlane v3, v2  }
0x33: {  	[tilespmem:s13], [sflag:$0x1] =	stream.indirect_vreg.gather [hbm4b:s3+s2], $0x80, v4, vm0, $0xb8;
	[tilespmem:$0xC080] =	vst v63  }
0x34: {  	v3 =	vadd.s32 v1, v3  }
0x35: {  	[tilespmem:s14], [sflag:$0x1] =	stream.indirect_vreg.gather [hbm4b:s4+s2], $0x80, v4, vm0, $0xb8;
	[tilespmem:$0xC080] =	vst v63  }
0x36: {  	_ = 	snop  }
0x37: {  	[tilespmem:s15], [sflag:$0x1] =	stream.indirect_vreg.gather [hbm4b:s5+s2], $0x80, v4, vm0, $0xb8;
	[tilespmem:$0xC080] =	vst v63  }
0x38: {  	_ = 	snop  }
0x39: {  	[tilespmem:s16], [sflag:$0x1] =	stream.indirect_vreg.gather [hbm4b:s3+s2], $0x80, v3, vm0, $0xb8;
	[tilespmem:$0xC080] =	vst v63  }
0x3a: {  	_ = 	snop  }
0x3b: {  	[tilespmem:s17], [sflag:$0x1] =	stream.indirect_vreg.gather [hbm4b:s4+s2], $0x80, v3, vm0, $0xb8;
	[tilespmem:$0xC080] =	vst v63  }
0x3c: {  	_ = 	snop  }
0x3d: {  	[tilespmem:s18], [sflag:$0x1] =	stream.indirect_vreg.gather [hbm4b:s5+s2], $0x80, v3, vm0, $0xb8;
	[tilespmem:$0xC080] =	vst v63  }
0x3e: {  	v3 =	vld [tilespmem:$0x20];
	_ =	sdelay $0x4  }
0x3f: {  	v62 =	vshrl.u32 v3, $0x3  }
0x40: {  	v4 =	vmul.u32 $0x30, v62  }
0x41: {  	v3 =	vand.u32 $0x7, v3  }
0x42: {  	v3 =	vor.u32 v3, v4  }
0x43: {  	v4 =	vperm.xlane v3, v0;
	_ =	sdelay $0x1  }
0x44: {  	v4 =	vadd.s32 v1, v4;
	_ =	sdelay $0x3  }
0x45: {  	v3 =	vperm.xlane v3, v2  }
0x46: {  	[tilespmem:s19], [sflag:$0x1] =	stream.indirect_vreg.gather [hbm4b:s3+s2], $0x80, v4, vm0, $0xb8;
	[tilespmem:$0xC080] =	vst v63  }
0x47: {  	v3 =	vadd.s32 v1, v3  }
0x48: {  	[tilespmem:s20], [sflag:$0x1] =	stream.indirect_vreg.gather [hbm4b:s4+s2], $0x80, v4, vm0, $0xb8;
	[tilespmem:$0xC080] =	vst v63  }
0x49: {  	_ = 	snop  }
0x4a: {  	[tilespmem:s21], [sflag:$0x1] =	stream.indirect_vreg.gather [hbm4b:s5+s2], $0x80, v4, vm0, $0xb8;
	[tilespmem:$0xC080] =	vst v63  }
0x4b: {  	_ = 	snop  }
0x4c: {  	[tilespmem:s22], [sflag:$0x1] =	stream.indirect_vreg.gather [hbm4b:s3+s2], $0x80, v3, vm0, $0xb8;
	[tilespmem:$0xC080] =	vst v63  }
0x4d: {  	_ = 	snop  }
0x4e: {  	[tilespmem:s23], [sflag:$0x1] =	stream.indirect_vreg.gather [hbm4b:s4+s2], $0x80, v3, vm0, $0xb8;
	[tilespmem:$0xC080] =	vst v63  }
0x4f: {  	_ = 	snop  }
0x50: {  	[tilespmem:s24], [sflag:$0x1] =	stream.indirect_vreg.gather [hbm4b:s5+s2], $0x80, v3, vm0, $0xb8;
	[tilespmem:$0xC080] =	vst v63  }
0x51: {  	v3 =	vld [tilespmem:$0x30];
	_ =	sdelay $0x4  }
0x52: {  	v63 =	vshrl.u32 v3, $0x3  }
0x53: {  	v4 =	vmul.u32 $0x30, v63  }
0x54: {  	v3 =	vand.u32 $0x7, v3  }
0x55: {  	v3 =	vor.u32 v3, v4  }
0x56: {  	v4 =	vperm.xlane v3, v0;
	_ =	sdelay $0x1  }
0x57: {  	v4 =	vadd.s32 v1, v4;
	_ =	sdelay $0x3  }
0x58: {  	v3 =	vperm.xlane v3, v2  }
0x59: {  	[tilespmem:s25], [sflag:$0x1] =	stream.indirect_vreg.gather [hbm4b:s3+s2], $0x80, v4, vm0, $0xb8;
	[tilespmem:$0xC080] =	vst v63  }
0x5a: {  	v3 =	vadd.s32 v1, v3  }
0x5b: {  	[tilespmem:s26], [sflag:$0x1] =	stream.indirect_vreg.gather [hbm4b:s4+s2], $0x80, v4, vm0, $0xb8;
	[tilespmem:$0xC080] =	vst v63  }
0x5c: {  	_ = 	snop  }
0x5d: {  	[tilespmem:s28], [sflag:$0x1] =	stream.indirect_vreg.gather [hbm4b:s5+s2], $0x80, v4, vm0, $0xb8;
	[tilespmem:$0xC080] =	vst v63  }
0x5e: {  	_ = 	snop  }
0x5f: {  	[tilespmem:s29], [sflag:$0x1] =	stream.indirect_vreg.gather [hbm4b:s3+s2], $0x80, v3, vm0, $0xb8;
	[tilespmem:$0xC080] =	vst v63  }
0x60: {  	_ = 	snop  }
0x61: {  	[tilespmem:s30], [sflag:$0x1] =	stream.indirect_vreg.gather [hbm4b:s4+s2], $0x80, v3, vm0, $0xb8;
	[tilespmem:$0xC080] =	vst v63  }
0x62: {  	_ = 	snop  }
0x63: {  	[tilespmem:s31], [sflag:$0x1] =	stream.indirect_vreg.gather [hbm4b:s5+s2], $0x80, v3, vm0, $0xb8;
	[tilespmem:$0xC080] =	vst v63  }
0x64: {  	_ =	swait.ge [sflag:s0], $0xC000  }
0x65: {  	p0 =	sne.s32 s6, $0x1;
	[sflag:s0] =	ssyncset.done $0x0  }
.Ltmp0:
0x66: {  	s1 =	rddreg [dreg:$0x4];
	[sflag:s0] =	ssyncadd.s32 $0xFFFF4000;
	(pc) =	sbr.rel @p0 .LBB2_1-.Ltmp0, $4  }
0x67: {  	[hbm4b:s1+s2] =	stream.linear.scatter [tilespmem:s8], [sflag:$0x2], $0xC000, $0x38;
	[tilespmem:$0xC080] =	vst v63  }
0x68: {  	_ =	swait.ge [sflag:s7], $0xC000  }
0x69: {  	[sflag:s7] =	ssyncset.done $0x0  }
0x6a: {  	s6 =	sadd.s32 $0xFFFFFFFF, s6;
	[sflag:s7] =	ssyncadd.s32 $0xFFFF4000  }
0x6b: {  	_ =	sfence.sel $0x180000  }
0x6c: {  	[bflag:$0x0] =	sbarrier.arrive $0xFFFF  }
0x6d: {  	_ =	strace $0x9000004A  }
0x6e: {  	s0 =	stileid.u32;
	[bflag:$0x2] =	sbarrier.arrive $0xFFFF  }
0x6f: {  	p0 =	sne.s32 s0, $0x0;
	s0 =	rddreg [dreg:$0x2]  }
0x70: {  	s0 =	sadd.s32 @!p0 $0x100000, s0  }
0x71: {  	[sflag:s0] =	ssyncadd.tile.s32 @!p0 $0x1;
	_ =	shalt  }
.Lfunc_end2:
_tile_overlayer_lowered:
.L_overlay_start_2:
0x72: {  	(tag) =	ssettag $0x2  }
0x73: {  	s0 =	rddreg [dreg:$0x0];
	s2 =	stileid.u32  }
0x74: {  	s1 =	rddreg [dreg:$0x1];
	p0 =	sne.s32 s2, $0x0  }
0x75: {  	s3 =	rddreg [dreg:$0x2];
	[bflag:$0x3] =	sbarrier.arrive $0xFFFF;
	s2 =	simm.s32 @!p0 $0x1C02  }
0x76: {  	[timem:s3], [sflag:s2] =	dma.local @!p0 [hbm:s0], s1  }
0x77: {  	s0 =	simm.s32 @!p0 $0x2  }
0x78: {  	_ =	swait.ge @!p0 [sflag:s0], s1  }
0x79: {  	s1 =	ssub.s32 @!p0 $0x0, s1;
	[sflag:s0] =	ssyncset.done @!p0 $0x0  }
0x7a: {  	[sflag:s0] =	ssyncadd.s32 @!p0 s1  }
0x7b: {  	[bflag:$0x3] =	sbarrier.arrive $0xFFFF  }
0x7c: {  	_ =	shalt  }

</sc_bundles>
